<compile_context>
chip_gen: v7x
topology: tpu7x:2x2x1
jax: 0.10.2.dev20260603
libtpu: 0.0.44.dev20260713+nightly
codegen_flags: <defaults>
</compile_context>

<pallas_src>
import functools

import jax
import jax.numpy as jnp
from jax import lax
from jax.experimental import pallas as pl
from jax.experimental.pallas import tpu as pltpu
from jax.experimental.pallas import tpu_sc as plsc

_N = 4096
_ROWS = 32
_LANES = 128
_CH = 1024
_NCH = _N // _CH
_MEM = 4
_NODES = 3


def _scan_body(t_ref, sd_ref, dts_ref, dtd_ref):
    t = t_ref[...]
    sd = sd_ref[...]
    s = jnp.bitwise_and(sd, 3)
    d = lax.shift_right_logical(sd, 2)
    lane = lax.broadcasted_iota(jnp.int32, (_ROWS, _LANES), 1)
    row1 = lax.broadcasted_iota(jnp.int32, (_ROWS, 1), 0)
    prevs = []
    for node in range(_NODES):
        x = jnp.where((s == node) | (d == node), t, 0.0)
        for sh in (1, 2, 4, 8, 16, 32, 64):
            x = jnp.maximum(x, jnp.where(lane >= sh, jnp.roll(x, sh, axis=1), 0.0))
        rt = x[:, _LANES - 1:_LANES]
        e = jnp.where(row1 >= 1, jnp.roll(rt, 1, axis=0), 0.0)
        for sh in (1, 2, 4, 8, 16):
            e = jnp.maximum(e, jnp.where(row1 >= sh, jnp.roll(e, sh, axis=0), 0.0))
        incl = jnp.maximum(x, e)
        excl = jnp.where(lane >= 1, jnp.roll(incl, 1, axis=1), e)
        prevs.append(excl)
    ps = jnp.where(s == 0, prevs[0], jnp.where(s == 1, prevs[1], prevs[2]))
    pd = jnp.where(d == 0, prevs[0], jnp.where(d == 1, prevs[1], prevs[2]))
    dts_ref[...] = t - ps
    dtd_ref[...] = t - pd


def _const_body(dts_ref, dtd_ref, raw_ref, w_ref, b_ref, m_ref, bias_ref, c_ref):
    dts = dts_ref[...]
    dtd = dtd_ref[...]
    raw = raw_ref[...]
    w = w_ref[...]
    b = b_ref[...]
    te_s = jnp.cos(dts * w + b)
    te_d = jnp.cos(dtd * w + b)
    acc = jnp.broadcast_to(bias_ref[...], (_N, 32))
    for k in range(2):
        acc = acc + raw[:, k:k + 1] * m_ref[k:k + 1, :]
    for k in range(4):
        acc = acc + te_s[:, k:k + 1] * m_ref[2 + k:3 + k, :]
    for k in range(4):
        acc = acc + te_d[:, k:k + 1] * m_ref[6 + k:7 + k, :]
    c_ref[...] = acc


def _logit_body(x8_ref, raw_ref, lm_ref, lr_ref, lb_ref, o_ref):
    x8 = x8_ref[...]
    raw = raw_ref[...]
    acc = jnp.broadcast_to(lb_ref[...], (_N, 2))
    for k in range(8):
        acc = acc + x8[:, k:k + 1] * lm_ref[k:k + 1, :]
    for k in range(2):
        acc = acc + raw[:, k:k + 1] * lr_ref[k:k + 1, :]
    o_ref[...] = acc


def _vtake(x, idx16):
    return lax.gather(
        x, idx16.reshape(16, 1),
        lax.GatherDimensionNumbers(
            offset_dims=(), collapsed_slice_dims=(0,), start_index_map=(0,)),
        (1,), mode=lax.GatherScatterMode.PROMISE_IN_BOUNDS)


def _sc_chain_body(c_hbm, sd_hbm, w_hbm, out_hbm,
                   cbuf, sdbuf, wbuf, outbuf):
    cid = lax.axis_index("c")
    sid = lax.axis_index("s")

    @pl.when(jnp.logical_and(cid == 0, sid == 0))
    def _():
        pltpu.sync_copy(w_hbm, wbuf)
        lane = lax.iota(jnp.int32, 16)
        lane_lt4 = lane < 4
        low2 = jnp.bitwise_and(lane, 3)
        low2p4 = low2 + 4
        rowid = lax.shift_right_logical(lane, 2)
        perm_hi = jnp.where(lane < 8, lane + 8, lane)
        bidx = [jnp.full((16,), k, jnp.int32) for k in range(8)]
        wA = [plsc.load_gather(wbuf, [lane + 16 * k]) for k in range(8)]
        wB = [plsc.load_gather(wbuf, [lane + 16 * (8 + k)]) for k in range(8)]

        def _step(j, mem16):
            jb = jnp.broadcast_to(j, (16,))
            sdv = plsc.load_gather(sdbuf, [jb])
            sv = jnp.bitwise_and(sdv, 3)
            dv = lax.shift_right_logical(sdv, 2)
            gidx = jnp.where(lane_lt4, sv, dv) * 4 + low2
            x8 = _vtake(mem16, gidx)
            j32 = j * 32
            cA = plsc.load_gather(cbuf, [lane + j32])
            cB = plsc.load_gather(cbuf, [lane + (j32 + 16)])
            bks = [_vtake(x8, bidx[k]) for k in range(8)]

            def _tree8(c, t):
                return c + (((t[0] + t[1]) + (t[2] + t[3]))
                            + ((t[4] + t[5]) + (t[6] + t[7])))

            yA = _tree8(cA, [bks[k] * wA[k] for k in range(8)])
            yB = _tree8(cB, [bks[k] * wB[k] for k in range(8)])
            S = 1.0 / (1.0 + jnp.exp(-yA))
            z8 = _vtake(S, perm_hi)
            gh8 = _vtake(yB, perm_hi)
            nin = yB + S * gh8
            e2 = jnp.exp(-2.0 * nin)
            th = (1.0 - e2) / (1.0 + e2)
            new8 = th + z8 * (x8 - th)
            is_d = rowid == dv
            touched = jnp.logical_or(is_d, rowid == sv)
            upd = _vtake(new8, jnp.where(is_d, low2p4, low2))
            plsc.store_scatter(outbuf, [lane + j * 16], x8)
            return jnp.where(touched, upd, mem16)

        def _chunk(ci, mem16):
            pltpu.sync_copy(c_hbm.at[pl.ds(ci * (_CH * 32), _CH * 32)], cbuf)
            pltpu.sync_copy(sd_hbm.at[pl.ds(ci * _CH, _CH)], sdbuf)

            def _pair(jj, m):
                m = _step(jj * 2, m)
                return _step(jj * 2 + 1, m)

            mem16 = lax.fori_loop(0, _CH // 2, _pair, mem16)
            pltpu.sync_copy(outbuf, out_hbm.at[pl.ds(ci * (_CH * 16), _CH * 16)])
            return mem16

        lax.fori_loop(0, _NCH, _chunk, jnp.zeros((16,), jnp.float32))


def _sc_chain(c_flat, sd, w16):
    mesh = plsc.VectorSubcoreMesh(core_axis_name="c", subcore_axis_name="s")
    f = functools.partial(
        pl.kernel,
        out_type=jax.ShapeDtypeStruct((_N * 16,), jnp.float32),
        mesh=mesh,
        compiler_params=pltpu.CompilerParams(needs_layout_passes=False),
        scratch_types=[
            pltpu.VMEM((_CH * 32,), jnp.float32),
            pltpu.VMEM((_CH,), jnp.int32),
            pltpu.VMEM((256,), jnp.float32),
            pltpu.VMEM((_CH * 16,), jnp.float32),
        ],
    )(_sc_chain_body)
    return f(c_flat, sd, w16)


def kernel(src_index, dst_index, timestamp, event_features, labels,
           time_w, time_b, gru_Wih, gru_Whh, gru_bih, gru_bhh, lin_W, lin_b):
    n = _N
    order = jnp.argsort(timestamp)
    sdf = (src_index.astype(jnp.int32)
           + 4 * dst_index.astype(jnp.int32)).astype(jnp.float32)
    packed = jnp.stack(
        [timestamp, event_features[:, 0], event_features[:, 1], sdf], axis=1)
    P = packed[order]
    t = P[:, 0]
    raw = P[:, 1:3]
    sd = P[:, 3].astype(jnp.int32)

    rzW = gru_Wih[0:8]
    nW = gru_Wih[8:12]
    Whh8 = gru_Whh[0:8]
    Whh_n = gru_Whh[8:12]
    own = (rzW[:, 0:4] + Whh8).T
    oth = rzW[:, 4:8].T
    B_A = jnp.concatenate([
        jnp.concatenate([own, oth], axis=1),
        jnp.concatenate([oth, own], axis=1),
    ], axis=0)
    z44 = jnp.zeros((4, 4), jnp.float32)
    B_B = jnp.concatenate([
        jnp.concatenate([nW[:, 0:4].T, nW[:, 4:8].T, Whh_n.T, z44], axis=1),
        jnp.concatenate([nW[:, 4:8].T, nW[:, 0:4].T, z44, Whh_n.T], axis=1),
    ], axis=0)
    gperm = jnp.asarray([0, 1, 2, 3, 8, 9, 10, 11, 4, 5, 6, 7, 12, 13, 14, 15])
    B_A = B_A[:, gperm]
    W16 = jnp.concatenate([B_A, B_B], axis=0)

    z28 = jnp.zeros((2, 8), jnp.float32)
    z48 = jnp.zeros((4, 8), jnp.float32)
    z24 = jnp.zeros((2, 4), jnp.float32)
    z44f = jnp.zeros((4, 4), jnp.float32)
    raw_rz = rzW[:, 8:10].T
    te_rz = rzW[:, 10:14].T
    raw_n = nW[:, 8:10].T
    te_n = nW[:, 10:14].T
    M = jnp.concatenate([
        jnp.concatenate([raw_rz, raw_rz, raw_n, raw_n, z28], axis=1),
        jnp.concatenate([te_rz, z48, te_n, z44f, z48], axis=1),
        jnp.concatenate([z48, te_rz, z44f, te_n, z48], axis=1),
    ], axis=0)
    M = M.at[:, 0:16].set(M[:, 0:16][:, gperm])
    biasA = (gru_bih[0:8] + gru_bhh[0:8])
    biasA = jnp.concatenate([biasA, biasA])[gperm]
    bias = jnp.concatenate([
        biasA,
        gru_bih[8:12], gru_bih[8:12],
        gru_bhh[8:12], gru_bhh[8:12],
    ])[None, :]

    t2 = t.reshape(_ROWS, _LANES)
    sd2 = sd.reshape(_ROWS, _LANES)
    dts2, dtd2 = pl.pallas_call(
        _scan_body,
        out_shape=(
            jax.ShapeDtypeStruct((_ROWS, _LANES), jnp.float32),
            jax.ShapeDtypeStruct((_ROWS, _LANES), jnp.float32),
        ),
    )(t2, sd2)

    C = pl.pallas_call(
        _const_body,
        out_shape=jax.ShapeDtypeStruct((_N, 32), jnp.float32),
    )(dts2.reshape(n, 1), dtd2.reshape(n, 1), raw,
      time_w[None, :], time_b[None, :], M, bias)

    x8out = _sc_chain(C.reshape(n * 32), sd, W16.reshape(256))

    logits_sorted = pl.pallas_call(
        _logit_body,
        out_shape=jax.ShapeDtypeStruct((_N, 2), jnp.float32),
    )(x8out.reshape(n, 16), raw, lin_W[:, 0:8].T, lin_W[:, 8:10].T,
      lin_b[None, :])

    return jnp.zeros((n, 2), jnp.float32).at[order].set(logits_sorted)

# --- scband reference (transcript-rebuilt; emitter-appended) ---
"""Pipeline reference for scband-tiny-temporal-memory-model-64707977282154 (READ-ONLY COPY).

The authoritative reference and input builder live on the scoring server;
editing this copy changes nothing except your own understanding.
"""

import jax, jax.numpy as jnp
import numpy as np

N_EVENTS = 4096
NUM_NODES = 3
MEM = 4
RAW = 2
TIME = 4
MSG = MEM + MEM + RAW + TIME  # 14


def setup_inputs(seed: int = 0) -> dict:
    key = jax.random.key(seed)
    ks = jax.random.split(key, 13)
    return {
        "src_index": jax.random.randint(ks[0], (N_EVENTS,), 0, NUM_NODES),
        "dst_index": jax.random.randint(ks[1], (N_EVENTS,), 0, NUM_NODES),
        "timestamp": jax.random.uniform(ks[2], (N_EVENTS,), dtype=jnp.float32),
        "event_features": jax.random.normal(ks[3], (N_EVENTS, RAW), dtype=jnp.float32),
        "labels": jax.random.randint(ks[4], (N_EVENTS,), 0, 2),
        # TGNMemory learned parameters
        "time_w": jax.random.normal(ks[5], (TIME,), dtype=jnp.float32),
        "time_b": jax.random.normal(ks[6], (TIME,), dtype=jnp.float32),
        "gru_Wih": jax.random.normal(ks[7], (3 * MEM, MSG), dtype=jnp.float32) * 0.2,
        "gru_Whh": jax.random.normal(ks[8], (3 * MEM, MEM), dtype=jnp.float32) * 0.2,
        "gru_bih": jax.random.normal(ks[9], (3 * MEM,), dtype=jnp.float32) * 0.1,
        "gru_bhh": jax.random.normal(ks[10], (3 * MEM,), dtype=jnp.float32) * 0.1,
        # nn.Linear(10, 2)
        "lin_W": jax.random.normal(ks[11], (2, MEM + MEM + RAW), dtype=jnp.float32) * 0.3,
        "lin_b": jax.random.normal(ks[12], (2,), dtype=jnp.float32) * 0.1,
    }


def _gru_cell(x, h, Wih, Whh, bih, bhh):
    gi = Wih @ x + bih
    gh = Whh @ h + bhh
    H = MEM
    r = jax.nn.sigmoid(gi[:H] + gh[:H])
    z = jax.nn.sigmoid(gi[H:2 * H] + gh[H:2 * H])
    n = jnp.tanh(gi[2 * H:] + r * gh[2 * H:])
    return (1.0 - z) * n + z * h


def reference(src_index, dst_index, timestamp, event_features, labels,
              time_w, time_b, gru_Wih, gru_Whh, gru_bih, gru_bhh, lin_W, lin_b):
    n_events = labels.shape[0]
    # memory.reset_state()
    mem0 = jnp.zeros((NUM_NODES, MEM), dtype=jnp.float32)
    lu0 = jnp.zeros((NUM_NODES,), dtype=jnp.float32)
    order = jnp.argsort(timestamp)

    def step(carry, i):
        memory, last_update = carry
        s = src_index[i]
        d = dst_index[i]
        t = timestamp[i]
        raw = event_features[i]
        sm = memory[s]
        dm = memory[d]
        # logits[index] = linear(cat([src_memory, dst_memory, raw_message]))
        logit = lin_W @ jnp.concatenate([sm, dm, raw]) + lin_b
        # memory.update: GRU over (own_mem, other_mem, raw_msg, time_encoding)
        te_s = jnp.cos((t - last_update[s]) * time_w + time_b)
        te_d = jnp.cos((t - last_update[d]) * time_w + time_b)
        new_sm = _gru_cell(jnp.concatenate([sm, dm, raw, te_s]), sm, gru_Wih, gru_Whh, gru_bih, gru_bhh)
        new_dm = _gru_cell(jnp.concatenate([dm, sm, raw, te_d]), dm, gru_Wih, gru_Whh, gru_bih, gru_bhh)
        memory = memory.at[s].set(new_sm).at[d].set(new_dm)
        last_update = last_update.at[s].set(t).at[d].set(t)
        return (memory, last_update), logit

    (_, _), logits_seq = jax.lax.scan(step, (mem0, lu0), order)
    logits = jnp.zeros((n_events, 2), dtype=jnp.float32).at[order].set(logits_seq)
    return logits


if False:  # reference __main__ guard neutralized (emitter)
    out = reference(**setup_inputs())
    print(out.shape, out.dtype)

if __name__ == "__main__":
    import jax
    _d = setup_inputs()
    print(jax.jit(kernel)(*tuple(_d.values())))

</pallas_src>

<mosaic_0001>
#map = affine_map<(d0, d1) -> (0)>
module attributes {stable_mosaic.version = 14 : i64} {
  func.func @_sc_chain_body(%arg0: i32, %arg1: i32, %arg2: memref<131072xf32, #tpu.memory_space<hbm>>, %arg3: memref<4096xi32, #tpu.memory_space<hbm>>, %arg4: memref<256xf32, #tpu.memory_space<hbm>>, %arg5: memref<65536xf32, #tpu.memory_space<hbm>>, %arg6: memref<32768xf32, #tpu.memory_space<vmem>>, %arg7: memref<1024xi32, #tpu.memory_space<vmem>>, %arg8: memref<256xf32, #tpu.memory_space<vmem>>, %arg9: memref<16384xf32, #tpu.memory_space<vmem>>) attributes {dimension_semantics = [#tpu.dimension_semantics<core_parallel>, #tpu.dimension_semantics<subcore_parallel>], iteration_bounds = array<i64: 2, 16>, scalar_prefetch = 0 : i64, scratch_operands = 4 : i64, tpu.core_type = #tpu.core_type<sc_vector_subcore>, window_params = [{transform_indices = #map}, {transform_indices = #map}, {transform_indices = #map}, {transform_indices = #map}]} {
    %eq3A = arith.constant 0 : i32
    %eq3A_0 = arith.cmpi eq, %arg0, %eq3A : i32
    %eq3A_1 = arith.constant 0 : i32
    %eq3A_2 = arith.cmpi eq, %arg1, %eq3A_1 : i32
    %and3A = arith.andi %eq3A_0, %eq3A_2 : i1
    %convert_element_type3A = arith.extui %and3A : i1 to i32
    %cond3A = arith.constant 0 : i32
    %cond3A_3 = arith.cmpi ne, %convert_element_type3A, %cond3A : i32
    scf.if %cond3A_3 {
      "tpu.region"() ({
        %run_scoped3A = tpu.sem_alloc : memref<!tpu.dma_semaphore, #tpu.memory_space<semaphore_mem>>
        tpu.enqueue_dma source(%arg4 : memref<256xf32, #tpu.memory_space<hbm>>) target(%arg8 : memref<256xf32, #tpu.memory_space<vmem>>) target_semaphore(%run_scoped3A : memref<!tpu.dma_semaphore, #tpu.memory_space<semaphore_mem>>)
        tpu.wait_dma2 semaphore(%run_scoped3A : memref<!tpu.dma_semaphore, #tpu.memory_space<semaphore_mem>>) src(%arg4 : memref<256xf32, #tpu.memory_space<hbm>>) dst(%arg8 : memref<256xf32, #tpu.memory_space<vmem>>)
        tpu.yield
      }) : () -> ()
      %iota3A = tpu.iota {dimensions = array<i32: 0>} : vector<16xi32>
      %lt3A = arith.constant 4 : i32
      %lt3A_4 = vector.broadcast %lt3A : i32 to vector<16xi32>
      %lt3A_5 = arith.cmpi slt, %iota3A, %lt3A_4 : vector<16xi32>
      %and3A_6 = arith.constant 3 : i32
      %and3A_7 = vector.broadcast %and3A_6 : i32 to vector<16xi32>
      %and3A_8 = arith.andi %iota3A, %and3A_7 : vector<16xi32>
      %add3A = arith.constant 4 : i32
      %add3A_9 = vector.broadcast %add3A : i32 to vector<16xi32>
      %add3A_10 = arith.addi %and3A_8, %add3A_9 : vector<16xi32>
      %shift_right_logical3A = arith.constant 2 : i32
      %shift_right_logical3A_11 = vector.broadcast %shift_right_logical3A : i32 to vector<16xi32>
      %shift_right_logical3A_12 = arith.shrui %iota3A, %shift_right_logical3A_11 : vector<16xi32>
      %lt3A_13 = arith.constant 8 : i32
      %lt3A_14 = vector.broadcast %lt3A_13 : i32 to vector<16xi32>
      %lt3A_15 = arith.cmpi slt, %iota3A, %lt3A_14 : vector<16xi32>
      %add3A_16 = arith.constant 8 : i32
      %add3A_17 = vector.broadcast %add3A_16 : i32 to vector<16xi32>
      %add3A_18 = arith.addi %iota3A, %add3A_17 : vector<16xi32>
      %select_n3A = arith.select %lt3A_15, %add3A_18, %iota3A : vector<16xi1>, vector<16xi32>
      %broadcast_in_dim3A = arith.constant 0 : i32
      %broadcast_in_dim3A_19 = vector.broadcast %broadcast_in_dim3A : i32 to vector<16xi32>
      %broadcast_in_dim3A_20 = arith.constant 1 : i32
      %broadcast_in_dim3A_21 = vector.broadcast %broadcast_in_dim3A_20 : i32 to vector<16xi32>
      %broadcast_in_dim3A_22 = arith.constant 2 : i32
      %broadcast_in_dim3A_23 = vector.broadcast %broadcast_in_dim3A_22 : i32 to vector<16xi32>
      %broadcast_in_dim3A_24 = arith.constant 3 : i32
      %broadcast_in_dim3A_25 = vector.broadcast %broadcast_in_dim3A_24 : i32 to vector<16xi32>
      %broadcast_in_dim3A_26 = arith.constant 4 : i32
      %broadcast_in_dim3A_27 = vector.broadcast %broadcast_in_dim3A_26 : i32 to vector<16xi32>
      %broadcast_in_dim3A_28 = arith.constant 5 : i32
      %broadcast_in_dim3A_29 = vector.broadcast %broadcast_in_dim3A_28 : i32 to vector<16xi32>
      %broadcast_in_dim3A_30 = arith.constant 6 : i32
      %broadcast_in_dim3A_31 = vector.broadcast %broadcast_in_dim3A_30 : i32 to vector<16xi32>
      %broadcast_in_dim3A_32 = arith.constant 7 : i32
      %broadcast_in_dim3A_33 = vector.broadcast %broadcast_in_dim3A_32 : i32 to vector<16xi32>
      %add3A_34 = arith.constant 0 : i32
      %add3A_35 = vector.broadcast %add3A_34 : i32 to vector<16xi32>
      %add3A_36 = arith.addi %iota3A, %add3A_35 : vector<16xi32>
      %gather3A = tpu.vector_load_idx %arg8[%add3A_36] : memref<256xf32, #tpu.memory_space<vmem>>[vector<16xi32>], vector<16xf32>,
      %add3A_37 = arith.constant 16 : i32
      %add3A_38 = vector.broadcast %add3A_37 : i32 to vector<16xi32>
      %add3A_39 = arith.addi %iota3A, %add3A_38 : vector<16xi32>
      %gather3A_40 = tpu.vector_load_idx %arg8[%add3A_39] : memref<256xf32, #tpu.memory_space<vmem>>[vector<16xi32>], vector<16xf32>,
      %add3A_41 = arith.constant 32 : i32
      %add3A_42 = vector.broadcast %add3A_41 : i32 to vector<16xi32>
      %add3A_43 = arith.addi %iota3A, %add3A_42 : vector<16xi32>
      %gather3A_44 = tpu.vector_load_idx %arg8[%add3A_43] : memref<256xf32, #tpu.memory_space<vmem>>[vector<16xi32>], vector<16xf32>,
      %add3A_45 = arith.constant 48 : i32
      %add3A_46 = vector.broadcast %add3A_45 : i32 to vector<16xi32>
      %add3A_47 = arith.addi %iota3A, %add3A_46 : vector<16xi32>
      %gather3A_48 = tpu.vector_load_idx %arg8[%add3A_47] : memref<256xf32, #tpu.memory_space<vmem>>[vector<16xi32>], vector<16xf32>,
      %add3A_49 = arith.constant 64 : i32
      %add3A_50 = vector.broadcast %add3A_49 : i32 to vector<16xi32>
      %add3A_51 = arith.addi %iota3A, %add3A_50 : vector<16xi32>
      %gather3A_52 = tpu.vector_load_idx %arg8[%add3A_51] : memref<256xf32, #tpu.memory_space<vmem>>[vector<16xi32>], vector<16xf32>,
      %add3A_53 = arith.constant 80 : i32
      %add3A_54 = vector.broadcast %add3A_53 : i32 to vector<16xi32>
      %add3A_55 = arith.addi %iota3A, %add3A_54 : vector<16xi32>
      %gather3A_56 = tpu.vector_load_idx %arg8[%add3A_55] : memref<256xf32, #tpu.memory_space<vmem>>[vector<16xi32>], vector<16xf32>,
      %add3A_57 = arith.constant 96 : i32
      %add3A_58 = vector.broadcast %add3A_57 : i32 to vector<16xi32>
      %add3A_59 = arith.addi %iota3A, %add3A_58 : vector<16xi32>
      %gather3A_60 = tpu.vector_load_idx %arg8[%add3A_59] : memref<256xf32, #tpu.memory_space<vmem>>[vector<16xi32>], vector<16xf32>,
      %add3A_61 = arith.constant 112 : i32
      %add3A_62 = vector.broadcast %add3A_61 : i32 to vector<16xi32>
      %add3A_63 = arith.addi %iota3A, %add3A_62 : vector<16xi32>
      %gather3A_64 = tpu.vector_load_idx %arg8[%add3A_63] : memref<256xf32, #tpu.memory_space<vmem>>[vector<16xi32>], vector<16xf32>,
      %add3A_65 = arith.constant 128 : i32
      %add3A_66 = vector.broadcast %add3A_65 : i32 to vector<16xi32>
      %add3A_67 = arith.addi %iota3A, %add3A_66 : vector<16xi32>
      %gather3A_68 = tpu.vector_load_idx %arg8[%add3A_67] : memref<256xf32, #tpu.memory_space<vmem>>[vector<16xi32>], vector<16xf32>,
      %add3A_69 = arith.constant 144 : i32
      %add3A_70 = vector.broadcast %add3A_69 : i32 to vector<16xi32>
      %add3A_71 = arith.addi %iota3A, %add3A_70 : vector<16xi32>
      %gather3A_72 = tpu.vector_load_idx %arg8[%add3A_71] : memref<256xf32, #tpu.memory_space<vmem>>[vector<16xi32>], vector<16xf32>,
      %add3A_73 = arith.constant 160 : i32
      %add3A_74 = vector.broadcast %add3A_73 : i32 to vector<16xi32>
      %add3A_75 = arith.addi %iota3A, %add3A_74 : vector<16xi32>
      %gather3A_76 = tpu.vector_load_idx %arg8[%add3A_75] : memref<256xf32, #tpu.memory_space<vmem>>[vector<16xi32>], vector<16xf32>,
      %add3A_77 = arith.constant 176 : i32
      %add3A_78 = vector.broadcast %add3A_77 : i32 to vector<16xi32>
      %add3A_79 = arith.addi %iota3A, %add3A_78 : vector<16xi32>
      %gather3A_80 = tpu.vector_load_idx %arg8[%add3A_79] : memref<256xf32, #tpu.memory_space<vmem>>[vector<16xi32>], vector<16xf32>,
      %add3A_81 = arith.constant 192 : i32
      %add3A_82 = vector.broadcast %add3A_81 : i32 to vector<16xi32>
      %add3A_83 = arith.addi %iota3A, %add3A_82 : vector<16xi32>
      %gather3A_84 = tpu.vector_load_idx %arg8[%add3A_83] : memref<256xf32, #tpu.memory_space<vmem>>[vector<16xi32>], vector<16xf32>,
      %add3A_85 = arith.constant 208 : i32
      %add3A_86 = vector.broadcast %add3A_85 : i32 to vector<16xi32>
      %add3A_87 = arith.addi %iota3A, %add3A_86 : vector<16xi32>
      %gather3A_88 = tpu.vector_load_idx %arg8[%add3A_87] : memref<256xf32, #tpu.memory_space<vmem>>[vector<16xi32>], vector<16xf32>,
      %add3A_89 = arith.constant 224 : i32
      %add3A_90 = vector.broadcast %add3A_89 : i32 to vector<16xi32>
      %add3A_91 = arith.addi %iota3A, %add3A_90 : vector<16xi32>
      %gather3A_92 = tpu.vector_load_idx %arg8[%add3A_91] : memref<256xf32, #tpu.memory_space<vmem>>[vector<16xi32>], vector<16xf32>,
      %add3A_93 = arith.constant 240 : i32
      %add3A_94 = vector.broadcast %add3A_93 : i32 to vector<16xi32>
      %add3A_95 = arith.addi %iota3A, %add3A_94 : vector<16xi32>
      %gather3A_96 = tpu.vector_load_idx %arg8[%add3A_95] : memref<256xf32, #tpu.memory_space<vmem>>[vector<16xi32>], vector<16xf32>,
      %broadcast_in_dim3A_97 = arith.constant 0.000000e+00 : f32
      %broadcast_in_dim3A_98 = vector.broadcast %broadcast_in_dim3A_97 : f32 to vector<16xf32>
      %scan3A = arith.constant 0 : i32
      %scan3A_99 = arith.constant 4 : i32
      %scan3A_100 = arith.addi %scan3A, %scan3A_99 : i32
      %scan3A_101 = arith.constant 1 : i32
      %scan3A_102 = scf.for %scan3A_104 = %scan3A to %scan3A_100 step %scan3A_101 iter_args(%scan3A_105 = %broadcast_in_dim3A_98) -> (vector<16xf32>)  : i32 {
        %mul3A = arith.constant 32768 : i32
        %mul3A_106 = arith.muli %scan3A_104, %mul3A : i32
        "tpu.region"() ({
          %run_scoped3A = tpu.sem_alloc : memref<!tpu.dma_semaphore, #tpu.memory_space<semaphore_mem>>
          %dma_start3A = tpu.memref_slice %arg2[%mul3A_106] : memref<131072xf32, #tpu.memory_space<hbm>> -> memref<32768xf32, #tpu.memory_space<hbm>>
          %dma_start3A_117 = tpu.memref_slice %arg2[%mul3A_106] : memref<131072xf32, #tpu.memory_space<hbm>> -> memref<32768xf32, #tpu.memory_space<hbm>>
          tpu.enqueue_dma source(%dma_start3A_117 : memref<32768xf32, #tpu.memory_space<hbm>>) target(%arg6 : memref<32768xf32, #tpu.memory_space<vmem>>) target_semaphore(%run_scoped3A : memref<!tpu.dma_semaphore, #tpu.memory_space<semaphore_mem>>)
          %dma_wait3A = tpu.memref_slice %arg2[%mul3A_106] : memref<131072xf32, #tpu.memory_space<hbm>> -> memref<32768xf32, #tpu.memory_space<hbm>>
          %dma_wait3A_118 = tpu.memref_slice %arg2[%mul3A_106] : memref<131072xf32, #tpu.memory_space<hbm>> -> memref<32768xf32, #tpu.memory_space<hbm>>
          tpu.wait_dma2 semaphore(%run_scoped3A : memref<!tpu.dma_semaphore, #tpu.memory_space<semaphore_mem>>) src(%dma_wait3A_118 : memref<32768xf32, #tpu.memory_space<hbm>>) dst(%arg6 : memref<32768xf32, #tpu.memory_space<vmem>>)
          tpu.yield
        }) : () -> ()
        %mul3A_107 = arith.constant 1024 : i32
        %mul3A_108 = arith.muli %scan3A_104, %mul3A_107 : i32
        "tpu.region"() ({
          %run_scoped3A = tpu.sem_alloc : memref<!tpu.dma_semaphore, #tpu.memory_space<semaphore_mem>>
          %dma_start3A = tpu.memref_slice %arg3[%mul3A_108] : memref<4096xi32, #tpu.memory_space<hbm>> -> memref<1024xi32, #tpu.memory_space<hbm>>
          %dma_start3A_117 = tpu.memref_slice %arg3[%mul3A_108] : memref<4096xi32, #tpu.memory_space<hbm>> -> memref<1024xi32, #tpu.memory_space<hbm>>
          tpu.enqueue_dma source(%dma_start3A_117 : memref<1024xi32, #tpu.memory_space<hbm>>) target(%arg7 : memref<1024xi32, #tpu.memory_space<vmem>>) target_semaphore(%run_scoped3A : memref<!tpu.dma_semaphore, #tpu.memory_space<semaphore_mem>>)
          %dma_wait3A = tpu.memref_slice %arg3[%mul3A_108] : memref<4096xi32, #tpu.memory_space<hbm>> -> memref<1024xi32, #tpu.memory_space<hbm>>
          %dma_wait3A_118 = tpu.memref_slice %arg3[%mul3A_108] : memref<4096xi32, #tpu.memory_space<hbm>> -> memref<1024xi32, #tpu.memory_space<hbm>>
          tpu.wait_dma2 semaphore(%run_scoped3A : memref<!tpu.dma_semaphore, #tpu.memory_space<semaphore_mem>>) src(%dma_wait3A_118 : memref<1024xi32, #tpu.memory_space<hbm>>) dst(%arg7 : memref<1024xi32, #tpu.memory_space<vmem>>)
          tpu.yield
        }) : () -> ()
        %scan3A_109 = arith.constant 0 : i32
        %scan3A_110 = arith.constant 512 : i32
        %scan3A_111 = arith.addi %scan3A_109, %scan3A_110 : i32
        %scan3A_112 = arith.constant 1 : i32
        %scan3A_113 = scf.for %scan3A_117 = %scan3A_109 to %scan3A_111 step %scan3A_112 iter_args(%scan3A_118 = %scan3A_105) -> (vector<16xf32>)  : i32 {
          %mul3A_119 = arith.constant 2 : i32
          %mul3A_120 = arith.muli %scan3A_117, %mul3A_119 : i32
          %broadcast_in_dim3A_121 = vector.broadcast %mul3A_120 : i32 to vector<16xi32>
          %gather3A_122 = tpu.vector_load_idx %arg7[%broadcast_in_dim3A_121] : memref<1024xi32, #tpu.memory_space<vmem>>[vector<16xi32>], vector<16xi32>,
          %and3A_123 = arith.constant 3 : i32
          %and3A_124 = vector.broadcast %and3A_123 : i32 to vector<16xi32>
          %and3A_125 = arith.andi %gather3A_122, %and3A_124 : vector<16xi32>
          %shift_right_logical3A_126 = arith.constant 2 : i32
          %shift_right_logical3A_127 = vector.broadcast %shift_right_logical3A_126 : i32 to vector<16xi32>
          %shift_right_logical3A_128 = arith.shrui %gather3A_122, %shift_right_logical3A_127 : vector<16xi32>
          %select_n3A_129 = arith.select %lt3A_5, %and3A_125, %shift_right_logical3A_128 : vector<16xi1>, vector<16xi32>
          %mul3A_130 = arith.constant 4 : i32
          %mul3A_131 = vector.broadcast %mul3A_130 : i32 to vector<16xi32>
          %mul3A_132 = arith.muli %select_n3A_129, %mul3A_131 : vector<16xi32>
          %add3A_133 = arith.addi %mul3A_132, %and3A_8 : vector<16xi32>
          %reshape3A = vector.shape_cast %add3A_133 : vector<16xi32> to vector<16x1xi32>
          %gather3A_134 = vector.shape_cast %reshape3A : vector<16x1xi32> to vector<16xi32>
          %gather3A_135 = tpu.dynamic_gather %scan3A_118[%gather3A_134] in [0] : vector<16xf32>, vector<16xi32> -> vector<16xf32>
          %mul3A_136 = arith.constant 32 : i32
          %mul3A_137 = arith.muli %mul3A_120, %mul3A_136 : i32
          %add3A_138 = vector.broadcast %mul3A_137 : i32 to vector<16xi32>
          %add3A_139 = arith.addi %iota3A, %add3A_138 : vector<16xi32>
          %gather3A_140 = tpu.vector_load_idx %arg6[%add3A_139] : memref<32768xf32, #tpu.memory_space<vmem>>[vector<16xi32>], vector<16xf32>,
          %add3A_141 = arith.constant 16 : i32
          %add3A_142 = arith.addi %mul3A_137, %add3A_141 : i32
          %add3A_143 = vector.broadcast %add3A_142 : i32 to vector<16xi32>
          %add3A_144 = arith.addi %iota3A, %add3A_143 : vector<16xi32>
          %gather3A_145 = tpu.vector_load_idx %arg6[%add3A_144] : memref<32768xf32, #tpu.memory_space<vmem>>[vector<16xi32>], vector<16xf32>,
          %reshape3A_146 = vector.shape_cast %broadcast_in_dim3A_19 : vector<16xi32> to vector<16x1xi32>
          %gather3A_147 = vector.shape_cast %reshape3A_146 : vector<16x1xi32> to vector<16xi32>
          %gather3A_148 = tpu.dynamic_gather %gather3A_135[%gather3A_147] in [0] : vector<16xf32>, vector<16xi32> -> vector<16xf32>
          %reshape3A_149 = vector.shape_cast %broadcast_in_dim3A_21 : vector<16xi32> to vector<16x1xi32>
          %gather3A_150 = vector.shape_cast %reshape3A_149 : vector<16x1xi32> to vector<16xi32>
          %gather3A_151 = tpu.dynamic_gather %gather3A_135[%gather3A_150] in [0] : vector<16xf32>, vector<16xi32> -> vector<16xf32>
          %reshape3A_152 = vector.shape_cast %broadcast_in_dim3A_23 : vector<16xi32> to vector<16x1xi32>
          %gather3A_153 = vector.shape_cast %reshape3A_152 : vector<16x1xi32> to vector<16xi32>
          %gather3A_154 = tpu.dynamic_gather %gather3A_135[%gather3A_153] in [0] : vector<16xf32>, vector<16xi32> -> vector<16xf32>
          %reshape3A_155 = vector.shape_cast %broadcast_in_dim3A_25 : vector<16xi32> to vector<16x1xi32>
          %gather3A_156 = vector.shape_cast %reshape3A_155 : vector<16x1xi32> to vector<16xi32>
          %gather3A_157 = tpu.dynamic_gather %gather3A_135[%gather3A_156] in [0] : vector<16xf32>, vector<16xi32> -> vector<16xf32>
          %reshape3A_158 = vector.shape_cast %broadcast_in_dim3A_27 : vector<16xi32> to vector<16x1xi32>
          %gather3A_159 = vector.shape_cast %reshape3A_158 : vector<16x1xi32> to vector<16xi32>
          %gather3A_160 = tpu.dynamic_gather %gather3A_135[%gather3A_159] in [0] : vector<16xf32>, vector<16xi32> -> vector<16xf32>
          %reshape3A_161 = vector.shape_cast %broadcast_in_dim3A_29 : vector<16xi32> to vector<16x1xi32>
          %gather3A_162 = vector.shape_cast %reshape3A_161 : vector<16x1xi32> to vector<16xi32>
          %gather3A_163 = tpu.dynamic_gather %gather3A_135[%gather3A_162] in [0] : vector<16xf32>, vector<16xi32> -> vector<16xf32>
          %reshape3A_164 = vector.shape_cast %broadcast_in_dim3A_31 : vector<16xi32> to vector<16x1xi32>
          %gather3A_165 = vector.shape_cast %reshape3A_164 : vector<16x1xi32> to vector<16xi32>
          %gather3A_166 = tpu.dynamic_gather %gather3A_135[%gather3A_165] in [0] : vector<16xf32>, vector<16xi32> -> vector<16xf32>
          %reshape3A_167 = vector.shape_cast %broadcast_in_dim3A_33 : vector<16xi32> to vector<16x1xi32>
          %gather3A_168 = vector.shape_cast %reshape3A_167 : vector<16x1xi32> to vector<16xi32>
          %gather3A_169 = tpu.dynamic_gather %gather3A_135[%gather3A_168] in [0] : vector<16xf32>, vector<16xi32> -> vector<16xf32>
          %mul3A_170 = arith.mulf %gather3A_148, %gather3A : vector<16xf32>
          %mul3A_171 = arith.mulf %gather3A_151, %gather3A_40 : vector<16xf32>
          %mul3A_172 = arith.mulf %gather3A_154, %gather3A_44 : vector<16xf32>
          %mul3A_173 = arith.mulf %gather3A_157, %gather3A_48 : vector<16xf32>
          %mul3A_174 = arith.mulf %gather3A_160, %gather3A_52 : vector<16xf32>
          %mul3A_175 = arith.mulf %gather3A_163, %gather3A_56 : vector<16xf32>
          %mul3A_176 = arith.mulf %gather3A_166, %gather3A_60 : vector<16xf32>
          %mul3A_177 = arith.mulf %gather3A_169, %gather3A_64 : vector<16xf32>
          %add3A_178 = arith.addf %mul3A_170, %mul3A_171 : vector<16xf32>
          %add3A_179 = arith.addf %mul3A_172, %mul3A_173 : vector<16xf32>
          %add3A_180 = arith.addf %add3A_178, %add3A_179 : vector<16xf32>
          %add3A_181 = arith.addf %mul3A_174, %mul3A_175 : vector<16xf32>
          %add3A_182 = arith.addf %mul3A_176, %mul3A_177 : vector<16xf32>
          %add3A_183 = arith.addf %add3A_181, %add3A_182 : vector<16xf32>
          %add3A_184 = arith.addf %add3A_180, %add3A_183 : vector<16xf32>
          %add3A_185 = arith.addf %gather3A_140, %add3A_184 : vector<16xf32>
          %mul3A_186 = arith.mulf %gather3A_148, %gather3A_68 : vector<16xf32>
          %mul3A_187 = arith.mulf %gather3A_151, %gather3A_72 : vector<16xf32>
          %mul3A_188 = arith.mulf %gather3A_154, %gather3A_76 : vector<16xf32>
          %mul3A_189 = arith.mulf %gather3A_157, %gather3A_80 : vector<16xf32>
          %mul3A_190 = arith.mulf %gather3A_160, %gather3A_84 : vector<16xf32>
          %mul3A_191 = arith.mulf %gather3A_163, %gather3A_88 : vector<16xf32>
          %mul3A_192 = arith.mulf %gather3A_166, %gather3A_92 : vector<16xf32>
          %mul3A_193 = arith.mulf %gather3A_169, %gather3A_96 : vector<16xf32>
          %add3A_194 = arith.addf %mul3A_186, %mul3A_187 : vector<16xf32>
          %add3A_195 = arith.addf %mul3A_188, %mul3A_189 : vector<16xf32>
          %add3A_196 = arith.addf %add3A_194, %add3A_195 : vector<16xf32>
          %add3A_197 = arith.addf %mul3A_190, %mul3A_191 : vector<16xf32>
          %add3A_198 = arith.addf %mul3A_192, %mul3A_193 : vector<16xf32>
          %add3A_199 = arith.addf %add3A_197, %add3A_198 : vector<16xf32>
          %add3A_200 = arith.addf %add3A_196, %add3A_199 : vector<16xf32>
          %add3A_201 = arith.addf %gather3A_145, %add3A_200 : vector<16xf32>
          %neg3A = arith.constant 0.000000e+00 : f32
          %neg3A_202 = vector.broadcast %neg3A : f32 to vector<16xf32>
          %neg3A_203 = arith.subf %neg3A_202, %add3A_185 : vector<16xf32>
          %exp3A = math.exp %neg3A_203 : vector<16xf32>
          %add3A_204 = arith.constant 1.000000e+00 : f32
          %add3A_205 = vector.broadcast %add3A_204 : f32 to vector<16xf32>
          %add3A_206 = arith.addf %add3A_205, %exp3A : vector<16xf32>
          %div3A = arith.constant 1.000000e+00 : f32
          %div3A_207 = vector.broadcast %div3A : f32 to vector<16xf32>
          %div3A_208 = arith.divf %div3A_207, %add3A_206 : vector<16xf32>
          %reshape3A_209 = vector.shape_cast %select_n3A : vector<16xi32> to vector<16x1xi32>
          %gather3A_210 = vector.shape_cast %reshape3A_209 : vector<16x1xi32> to vector<16xi32>
          %gather3A_211 = tpu.dynamic_gather %div3A_208[%gather3A_210] in [0] : vector<16xf32>, vector<16xi32> -> vector<16xf32>
          %reshape3A_212 = vector.shape_cast %select_n3A : vector<16xi32> to vector<16x1xi32>
          %gather3A_213 = vector.shape_cast %reshape3A_212 : vector<16x1xi32> to vector<16xi32>
          %gather3A_214 = tpu.dynamic_gather %add3A_201[%gather3A_213] in [0] : vector<16xf32>, vector<16xi32> -> vector<16xf32>
          %mul3A_215 = arith.mulf %div3A_208, %gather3A_214 : vector<16xf32>
          %add3A_216 = arith.addf %add3A_201, %mul3A_215 : vector<16xf32>
          %mul3A_217 = arith.constant -2.000000e+00 : f32
          %mul3A_218 = vector.broadcast %mul3A_217 : f32 to vector<16xf32>
          %mul3A_219 = arith.mulf %mul3A_218, %add3A_216 : vector<16xf32>
          %exp3A_220 = math.exp %mul3A_219 : vector<16xf32>
          %sub3A = arith.constant 1.000000e+00 : f32
          %sub3A_221 = vector.broadcast %sub3A : f32 to vector<16xf32>
          %sub3A_222 = arith.subf %sub3A_221, %exp3A_220 : vector<16xf32>
          %add3A_223 = arith.constant 1.000000e+00 : f32
          %add3A_224 = vector.broadcast %add3A_223 : f32 to vector<16xf32>
          %add3A_225 = arith.addf %add3A_224, %exp3A_220 : vector<16xf32>
          %div3A_226 = arith.divf %sub3A_222, %add3A_225 : vector<16xf32>
          %sub3A_227 = arith.subf %gather3A_135, %div3A_226 : vector<16xf32>
          %mul3A_228 = arith.mulf %gather3A_211, %sub3A_227 : vector<16xf32>
          %add3A_229 = arith.addf %div3A_226, %mul3A_228 : vector<16xf32>
          %eq3A_230 = arith.cmpi eq, %shift_right_logical3A_12, %shift_right_logical3A_128 : vector<16xi32>
          %eq3A_231 = arith.cmpi eq, %shift_right_logical3A_12, %and3A_125 : vector<16xi32>
          %or3A = arith.ori %eq3A_230, %eq3A_231 : vector<16xi1>
          %select_n3A_232 = arith.select %eq3A_230, %add3A_10, %and3A_8 : vector<16xi1>, vector<16xi32>
          %reshape3A_233 = vector.shape_cast %select_n3A_232 : vector<16xi32> to vector<16x1xi32>
          %gather3A_234 = vector.shape_cast %reshape3A_233 : vector<16x1xi32> to vector<16xi32>
          %gather3A_235 = tpu.dynamic_gather %add3A_229[%gather3A_234] in [0] : vector<16xf32>, vector<16xi32> -> vector<16xf32>
          %mul3A_236 = arith.constant 16 : i32
          %mul3A_237 = arith.muli %mul3A_120, %mul3A_236 : i32
          %add3A_238 = vector.broadcast %mul3A_237 : i32 to vector<16xi32>
          %add3A_239 = arith.addi %iota3A, %add3A_238 : vector<16xi32>
          tpu.vector_store_idx %arg9[%add3A_239], %gather3A_135 : memref<16384xf32, #tpu.memory_space<vmem>>[vector<16xi32>], vector<16xf32>,
          %select_n3A_240 = arith.select %or3A, %gather3A_235, %scan3A_118 : vector<16xi1>, vector<16xf32>
          %mul3A_241 = arith.constant 2 : i32
          %mul3A_242 = arith.muli %scan3A_117, %mul3A_241 : i32
          %add3A_243 = arith.constant 1 : i32
          %add3A_244 = arith.addi %mul3A_242, %add3A_243 : i32
          %broadcast_in_dim3A_245 = vector.broadcast %add3A_244 : i32 to vector<16xi32>
          %gather3A_246 = tpu.vector_load_idx %arg7[%broadcast_in_dim3A_245] : memref<1024xi32, #tpu.memory_space<vmem>>[vector<16xi32>], vector<16xi32>,
          %and3A_247 = arith.constant 3 : i32
          %and3A_248 = vector.broadcast %and3A_247 : i32 to vector<16xi32>
          %and3A_249 = arith.andi %gather3A_246, %and3A_248 : vector<16xi32>
          %shift_right_logical3A_250 = arith.constant 2 : i32
          %shift_right_logical3A_251 = vector.broadcast %shift_right_logical3A_250 : i32 to vector<16xi32>
          %shift_right_logical3A_252 = arith.shrui %gather3A_246, %shift_right_logical3A_251 : vector<16xi32>
          %select_n3A_253 = arith.select %lt3A_5, %and3A_249, %shift_right_logical3A_252 : vector<16xi1>, vector<16xi32>
          %mul3A_254 = arith.constant 4 : i32
          %mul3A_255 = vector.broadcast %mul3A_254 : i32 to vector<16xi32>
          %mul3A_256 = arith.muli %select_n3A_253, %mul3A_255 : vector<16xi32>
          %add3A_257 = arith.addi %mul3A_256, %and3A_8 : vector<16xi32>
          %reshape3A_258 = vector.shape_cast %add3A_257 : vector<16xi32> to vector<16x1xi32>
          %gather3A_259 = vector.shape_cast %reshape3A_258 : vector<16x1xi32> to vector<16xi32>
          %gather3A_260 = tpu.dynamic_gather %select_n3A_240[%gather3A_259] in [0] : vector<16xf32>, vector<16xi32> -> vector<16xf32>
          %mul3A_261 = arith.constant 32 : i32
          %mul3A_262 = arith.muli %add3A_244, %mul3A_261 : i32
          %add3A_263 = vector.broadcast %mul3A_262 : i32 to vector<16xi32>
          %add3A_264 = arith.addi %iota3A, %add3A_263 : vector<16xi32>
          %gather3A_265 = tpu.vector_load_idx %arg6[%add3A_264] : memref<32768xf32, #tpu.memory_space<vmem>>[vector<16xi32>], vector<16xf32>,
          %add3A_266 = arith.constant 16 : i32
          %add3A_267 = arith.addi %mul3A_262, %add3A_266 : i32
          %add3A_268 = vector.broadcast %add3A_267 : i32 to vector<16xi32>
          %add3A_269 = arith.addi %iota3A, %add3A_268 : vector<16xi32>
          %gather3A_270 = tpu.vector_load_idx %arg6[%add3A_269] : memref<32768xf32, #tpu.memory_space<vmem>>[vector<16xi32>], vector<16xf32>,
          %reshape3A_271 = vector.shape_cast %broadcast_in_dim3A_19 : vector<16xi32> to vector<16x1xi32>
          %gather3A_272 = vector.shape_cast %reshape3A_271 : vector<16x1xi32> to vector<16xi32>
          %gather3A_273 = tpu.dynamic_gather %gather3A_260[%gather3A_272] in [0] : vector<16xf32>, vector<16xi32> -> vector<16xf32>
          %reshape3A_274 = vector.shape_cast %broadcast_in_dim3A_21 : vector<16xi32> to vector<16x1xi32>
          %gather3A_275 = vector.shape_cast %reshape3A_274 : vector<16x1xi32> to vector<16xi32>
          %gather3A_276 = tpu.dynamic_gather %gather3A_260[%gather3A_275] in [0] : vector<16xf32>, vector<16xi32> -> vector<16xf32>
          %reshape3A_277 = vector.shape_cast %broadcast_in_dim3A_23 : vector<16xi32> to vector<16x1xi32>
          %gather3A_278 = vector.shape_cast %reshape3A_277 : vector<16x1xi32> to vector<16xi32>
          %gather3A_279 = tpu.dynamic_gather %gather3A_260[%gather3A_278] in [0] : vector<16xf32>, vector<16xi32> -> vector<16xf32>
          %reshape3A_280 = vector.shape_cast %broadcast_in_dim3A_25 : vector<16xi32> to vector<16x1xi32>
          %gather3A_281 = vector.shape_cast %reshape3A_280 : vector<16x1xi32> to vector<16xi32>
          %gather3A_282 = tpu.dynamic_gather %gather3A_260[%gather3A_281] in [0] : vector<16xf32>, vector<16xi32> -> vector<16xf32>
          %reshape3A_283 = vector.shape_cast %broadcast_in_dim3A_27 : vector<16xi32> to vector<16x1xi32>
          %gather3A_284 = vector.shape_cast %reshape3A_283 : vector<16x1xi32> to vector<16xi32>
          %gather3A_285 = tpu.dynamic_gather %gather3A_260[%gather3A_284] in [0] : vector<16xf32>, vector<16xi32> -> vector<16xf32>
          %reshape3A_286 = vector.shape_cast %broadcast_in_dim3A_29 : vector<16xi32> to vector<16x1xi32>
          %gather3A_287 = vector.shape_cast %reshape3A_286 : vector<16x1xi32> to vector<16xi32>
          %gather3A_288 = tpu.dynamic_gather %gather3A_260[%gather3A_287] in [0] : vector<16xf32>, vector<16xi32> -> vector<16xf32>
          %reshape3A_289 = vector.shape_cast %broadcast_in_dim3A_31 : vector<16xi32> to vector<16x1xi32>
          %gather3A_290 = vector.shape_cast %reshape3A_289 : vector<16x1xi32> to vector<16xi32>
          %gather3A_291 = tpu.dynamic_gather %gather3A_260[%gather3A_290] in [0] : vector<16xf32>, vector<16xi32> -> vector<16xf32>
          %reshape3A_292 = vector.shape_cast %broadcast_in_dim3A_33 : vector<16xi32> to vector<16x1xi32>
          %gather3A_293 = vector.shape_cast %reshape3A_292 : vector<16x1xi32> to vector<16xi32>
          %gather3A_294 = tpu.dynamic_gather %gather3A_260[%gather3A_293] in [0] : vector<16xf32>, vector<16xi32> -> vector<16xf32>
          %mul3A_295 = arith.mulf %gather3A_273, %gather3A : vector<16xf32>
          %mul3A_296 = arith.mulf %gather3A_276, %gather3A_40 : vector<16xf32>
          %mul3A_297 = arith.mulf %gather3A_279, %gather3A_44 : vector<16xf32>
          %mul3A_298 = arith.mulf %gather3A_282, %gather3A_48 : vector<16xf32>
          %mul3A_299 = arith.mulf %gather3A_285, %gather3A_52 : vector<16xf32>
          %mul3A_300 = arith.mulf %gather3A_288, %gather3A_56 : vector<16xf32>
          %mul3A_301 = arith.mulf %gather3A_291, %gather3A_60 : vector<16xf32>
          %mul3A_302 = arith.mulf %gather3A_294, %gather3A_64 : vector<16xf32>
          %add3A_303 = arith.addf %mul3A_295, %mul3A_296 : vector<16xf32>
          %add3A_304 = arith.addf %mul3A_297, %mul3A_298 : vector<16xf32>
          %add3A_305 = arith.addf %add3A_303, %add3A_304 : vector<16xf32>
          %add3A_306 = arith.addf %mul3A_299, %mul3A_300 : vector<16xf32>
          %add3A_307 = arith.addf %mul3A_301, %mul3A_302 : vector<16xf32>
          %add3A_308 = arith.addf %add3A_306, %add3A_307 : vector<16xf32>
          %add3A_309 = arith.addf %add3A_305, %add3A_308 : vector<16xf32>
          %add3A_310 = arith.addf %gather3A_265, %add3A_309 : vector<16xf32>
          %mul3A_311 = arith.mulf %gather3A_273, %gather3A_68 : vector<16xf32>
          %mul3A_312 = arith.mulf %gather3A_276, %gather3A_72 : vector<16xf32>
          %mul3A_313 = arith.mulf %gather3A_279, %gather3A_76 : vector<16xf32>
          %mul3A_314 = arith.mulf %gather3A_282, %gather3A_80 : vector<16xf32>
          %mul3A_315 = arith.mulf %gather3A_285, %gather3A_84 : vector<16xf32>
          %mul3A_316 = arith.mulf %gather3A_288, %gather3A_88 : vector<16xf32>
          %mul3A_317 = arith.mulf %gather3A_291, %gather3A_92 : vector<16xf32>
          %mul3A_318 = arith.mulf %gather3A_294, %gather3A_96 : vector<16xf32>
          %add3A_319 = arith.addf %mul3A_311, %mul3A_312 : vector<16xf32>
          %add3A_320 = arith.addf %mul3A_313, %mul3A_314 : vector<16xf32>
          %add3A_321 = arith.addf %add3A_319, %add3A_320 : vector<16xf32>
          %add3A_322 = arith.addf %mul3A_315, %mul3A_316 : vector<16xf32>
          %add3A_323 = arith.addf %mul3A_317, %mul3A_318 : vector<16xf32>
          %add3A_324 = arith.addf %add3A_322, %add3A_323 : vector<16xf32>
          %add3A_325 = arith.addf %add3A_321, %add3A_324 : vector<16xf32>
          %add3A_326 = arith.addf %gather3A_270, %add3A_325 : vector<16xf32>
          %neg3A_327 = arith.constant 0.000000e+00 : f32
          %neg3A_328 = vector.broadcast %neg3A_327 : f32 to vector<16xf32>
          %neg3A_329 = arith.subf %neg3A_328, %add3A_310 : vector<16xf32>
          %exp3A_330 = math.exp %neg3A_329 : vector<16xf32>
          %add3A_331 = arith.constant 1.000000e+00 : f32
          %add3A_332 = vector.broadcast %add3A_331 : f32 to vector<16xf32>
          %add3A_333 = arith.addf %add3A_332, %exp3A_330 : vector<16xf32>
          %div3A_334 = arith.constant 1.000000e+00 : f32
          %div3A_335 = vector.broadcast %div3A_334 : f32 to vector<16xf32>
          %div3A_336 = arith.divf %div3A_335, %add3A_333 : vector<16xf32>
          %reshape3A_337 = vector.shape_cast %select_n3A : vector<16xi32> to vector<16x1xi32>
          %gather3A_338 = vector.shape_cast %reshape3A_337 : vector<16x1xi32> to vector<16xi32>
          %gather3A_339 = tpu.dynamic_gather %div3A_336[%gather3A_338] in [0] : vector<16xf32>, vector<16xi32> -> vector<16xf32>
          %reshape3A_340 = vector.shape_cast %select_n3A : vector<16xi32> to vector<16x1xi32>
          %gather3A_341 = vector.shape_cast %reshape3A_340 : vector<16x1xi32> to vector<16xi32>
          %gather3A_342 = tpu.dynamic_gather %add3A_326[%gather3A_341] in [0] : vector<16xf32>, vector<16xi32> -> vector<16xf32>
          %mul3A_343 = arith.mulf %div3A_336, %gather3A_342 : vector<16xf32>
          %add3A_344 = arith.addf %add3A_326, %mul3A_343 : vector<16xf32>
          %mul3A_345 = arith.constant -2.000000e+00 : f32
          %mul3A_346 = vector.broadcast %mul3A_345 : f32 to vector<16xf32>
          %mul3A_347 = arith.mulf %mul3A_346, %add3A_344 : vector<16xf32>
          %exp3A_348 = math.exp %mul3A_347 : vector<16xf32>
          %sub3A_349 = arith.constant 1.000000e+00 : f32
          %sub3A_350 = vector.broadcast %sub3A_349 : f32 to vector<16xf32>
          %sub3A_351 = arith.subf %sub3A_350, %exp3A_348 : vector<16xf32>
          %add3A_352 = arith.constant 1.000000e+00 : f32
          %add3A_353 = vector.broadcast %add3A_352 : f32 to vector<16xf32>
          %add3A_354 = arith.addf %add3A_353, %exp3A_348 : vector<16xf32>
          %div3A_355 = arith.divf %sub3A_351, %add3A_354 : vector<16xf32>
          %sub3A_356 = arith.subf %gather3A_260, %div3A_355 : vector<16xf32>
          %mul3A_357 = arith.mulf %gather3A_339, %sub3A_356 : vector<16xf32>
          %add3A_358 = arith.addf %div3A_355, %mul3A_357 : vector<16xf32>
          %eq3A_359 = arith.cmpi eq, %shift_right_logical3A_12, %shift_right_logical3A_252 : vector<16xi32>
          %eq3A_360 = arith.cmpi eq, %shift_right_logical3A_12, %and3A_249 : vector<16xi32>
          %or3A_361 = arith.ori %eq3A_359, %eq3A_360 : vector<16xi1>
          %select_n3A_362 = arith.select %eq3A_359, %add3A_10, %and3A_8 : vector<16xi1>, vector<16xi32>
          %reshape3A_363 = vector.shape_cast %select_n3A_362 : vector<16xi32> to vector<16x1xi32>
          %gather3A_364 = vector.shape_cast %reshape3A_363 : vector<16x1xi32> to vector<16xi32>
          %gather3A_365 = tpu.dynamic_gather %add3A_358[%gather3A_364] in [0] : vector<16xf32>, vector<16xi32> -> vector<16xf32>
          %mul3A_366 = arith.constant 16 : i32
          %mul3A_367 = arith.muli %add3A_244, %mul3A_366 : i32
          %add3A_368 = vector.broadcast %mul3A_367 : i32 to vector<16xi32>
          %add3A_369 = arith.addi %iota3A, %add3A_368 : vector<16xi32>
          tpu.vector_store_idx %arg9[%add3A_369], %gather3A_260 : memref<16384xf32, #tpu.memory_space<vmem>>[vector<16xi32>], vector<16xf32>,
          %select_n3A_370 = arith.select %or3A_361, %gather3A_365, %select_n3A_240 : vector<16xi1>, vector<16xf32>
          scf.yield %select_n3A_370 : vector<16xf32>
        }
        %scan3A_114 = arith.constant 512 : i32
        %mul3A_115 = arith.constant 16384 : i32
        %mul3A_116 = arith.muli %scan3A_104, %mul3A_115 : i32
        "tpu.region"() ({
          %run_scoped3A = tpu.sem_alloc : memref<!tpu.dma_semaphore, #tpu.memory_space<semaphore_mem>>
          %dma_start3A = tpu.memref_slice %arg5[%mul3A_116] : memref<65536xf32, #tpu.memory_space<hbm>> -> memref<16384xf32, #tpu.memory_space<hbm>>
          %dma_start3A_117 = tpu.memref_slice %arg5[%mul3A_116] : memref<65536xf32, #tpu.memory_space<hbm>> -> memref<16384xf32, #tpu.memory_space<hbm>>
          tpu.enqueue_dma source(%arg9 : memref<16384xf32, #tpu.memory_space<vmem>>) target(%dma_start3A_117 : memref<16384xf32, #tpu.memory_space<hbm>>) target_semaphore(%run_scoped3A : memref<!tpu.dma_semaphore, #tpu.memory_space<semaphore_mem>>)
          %dma_wait3A = tpu.memref_slice %arg5[%mul3A_116] : memref<65536xf32, #tpu.memory_space<hbm>> -> memref<16384xf32, #tpu.memory_space<hbm>>
          %dma_wait3A_118 = tpu.memref_slice %arg5[%mul3A_116] : memref<65536xf32, #tpu.memory_space<hbm>> -> memref<16384xf32, #tpu.memory_space<hbm>>
          tpu.wait_dma2 semaphore(%run_scoped3A : memref<!tpu.dma_semaphore, #tpu.memory_space<semaphore_mem>>) src(%arg9 : memref<16384xf32, #tpu.memory_space<vmem>>) dst(%dma_wait3A_118 : memref<16384xf32, #tpu.memory_space<hbm>>)
          tpu.yield
        }) : () -> ()
        scf.yield %scan3A_113 : vector<16xf32>
      }
      %scan3A_103 = arith.constant 4 : i32
    } else {
    }
    return
  }
}

module attributes {stable_mosaic.version = 14 : i64} {
  func.func @_scan_body(%arg0: memref<32x128xf32, #tpu.memory_space<vmem>>, %arg1: memref<32x128xi32, #tpu.memory_space<vmem>>, %arg2: memref<32x128xf32, #tpu.memory_space<vmem>>, %arg3: memref<32x128xf32, #tpu.memory_space<vmem>>) attributes {dimension_semantics = [], scalar_prefetch = 0 : i64, scratch_operands = 0 : i64, tpu.core_type = #tpu.core_type<tc>} {
    %get3A = arith.constant 0 : index
    %get3A_0 = arith.constant 0 : index
    %get3A_1 = vector.load %arg0[%get3A, %get3A_0] : memref<32x128xf32, #tpu.memory_space<vmem>>, vector<32x128xf32>
    %get3A_2 = arith.constant 0 : index
    %get3A_3 = arith.constant 0 : index
    %get3A_4 = vector.load %arg1[%get3A_2, %get3A_3] : memref<32x128xi32, #tpu.memory_space<vmem>>, vector<32x128xi32>
    %and3A = arith.constant 3 : i32
    %and3A_5 = vector.broadcast %and3A : i32 to vector<32x128xi32>
    %and3A_6 = arith.andi %get3A_4, %and3A_5 : vector<32x128xi32>
    %shift_right_logical3A = arith.constant 2 : i32
    %shift_right_logical3A_7 = vector.broadcast %shift_right_logical3A : i32 to vector<32x128xi32>
    %shift_right_logical3A_8 = arith.shrui %get3A_4, %shift_right_logical3A_7 : vector<32x128xi32>
    %iota3A = tpu.iota {dimensions = array<i32: 1>} : vector<32x128xi32>
    %iota3A_9 = tpu.iota {dimensions = array<i32: 0>} : vector<32x1xi32>
    %eq3A = arith.constant 0 : i32
    %eq3A_10 = vector.broadcast %eq3A : i32 to vector<32x128xi32>
    %eq3A_11 = arith.cmpi eq, %and3A_6, %eq3A_10 : vector<32x128xi32>
    %eq3A_12 = arith.constant 0 : i32
    %eq3A_13 = vector.broadcast %eq3A_12 : i32 to vector<32x128xi32>
    %eq3A_14 = arith.cmpi eq, %shift_right_logical3A_8, %eq3A_13 : vector<32x128xi32>
    %or3A = arith.ori %eq3A_11, %eq3A_14 : vector<32x128xi1>
    %jit3A = arith.constant 0.000000e+00 : f32
    %broadcast_in_dim3A = vector.broadcast %jit3A : f32 to vector<32x128xf32>
    %select_n3A = arith.select %or3A, %get3A_1, %broadcast_in_dim3A : vector<32x128xi1>, vector<32x128xf32>
    %ge3A = arith.constant 1 : i32
    %ge3A_15 = vector.broadcast %ge3A : i32 to vector<32x128xi32>
    %ge3A_16 = arith.cmpi sge, %iota3A, %ge3A_15 : vector<32x128xi32>
    %slice3A = vector.extract_strided_slice %select_n3A {offsets = [0, 127], sizes = [32, 1], strides = [1, 1]} : vector<32x128xf32> to vector<32x1xf32>
    %slice3A_17 = vector.extract_strided_slice %select_n3A {offsets = [0, 0], sizes = [32, 127], strides = [1, 1]} : vector<32x128xf32> to vector<32x127xf32>
    %concatenate3A = tpu.concatenate %slice3A, %slice3A_17 in 1 : vector<32x1xf32>, vector<32x127xf32> -> vector<32x128xf32>
    %jit3A_18 = arith.constant 0.000000e+00 : f32
    %broadcast_in_dim3A_19 = vector.broadcast %jit3A_18 : f32 to vector<32x128xf32>
    %select_n3A_20 = arith.select %ge3A_16, %concatenate3A, %broadcast_in_dim3A_19 : vector<32x128xi1>, vector<32x128xf32>
    %max3A = arith.maximumf %select_n3A, %select_n3A_20 : vector<32x128xf32>
    %ge3A_21 = arith.constant 2 : i32
    %ge3A_22 = vector.broadcast %ge3A_21 : i32 to vector<32x128xi32>
    %ge3A_23 = arith.cmpi sge, %iota3A, %ge3A_22 : vector<32x128xi32>
    %slice3A_24 = vector.extract_strided_slice %max3A {offsets = [0, 126], sizes = [32, 2], strides = [1, 1]} : vector<32x128xf32> to vector<32x2xf32>
    %slice3A_25 = vector.extract_strided_slice %max3A {offsets = [0, 0], sizes = [32, 126], strides = [1, 1]} : vector<32x128xf32> to vector<32x126xf32>
    %concatenate3A_26 = tpu.concatenate %slice3A_24, %slice3A_25 in 1 : vector<32x2xf32>, vector<32x126xf32> -> vector<32x128xf32>
    %jit3A_27 = arith.constant 0.000000e+00 : f32
    %broadcast_in_dim3A_28 = vector.broadcast %jit3A_27 : f32 to vector<32x128xf32>
    %select_n3A_29 = arith.select %ge3A_23, %concatenate3A_26, %broadcast_in_dim3A_28 : vector<32x128xi1>, vector<32x128xf32>
    %max3A_30 = arith.maximumf %max3A, %select_n3A_29 : vector<32x128xf32>
    %ge3A_31 = arith.constant 4 : i32
    %ge3A_32 = vector.broadcast %ge3A_31 : i32 to vector<32x128xi32>
    %ge3A_33 = arith.cmpi sge, %iota3A, %ge3A_32 : vector<32x128xi32>
    %slice3A_34 = vector.extract_strided_slice %max3A_30 {offsets = [0, 124], sizes = [32, 4], strides = [1, 1]} : vector<32x128xf32> to vector<32x4xf32>
    %slice3A_35 = vector.extract_strided_slice %max3A_30 {offsets = [0, 0], sizes = [32, 124], strides = [1, 1]} : vector<32x128xf32> to vector<32x124xf32>
    %concatenate3A_36 = tpu.concatenate %slice3A_34, %slice3A_35 in 1 : vector<32x4xf32>, vector<32x124xf32> -> vector<32x128xf32>
    %jit3A_37 = arith.constant 0.000000e+00 : f32
    %broadcast_in_dim3A_38 = vector.broadcast %jit3A_37 : f32 to vector<32x128xf32>
    %select_n3A_39 = arith.select %ge3A_33, %concatenate3A_36, %broadcast_in_dim3A_38 : vector<32x128xi1>, vector<32x128xf32>
    %max3A_40 = arith.maximumf %max3A_30, %select_n3A_39 : vector<32x128xf32>
    %ge3A_41 = arith.constant 8 : i32
    %ge3A_42 = vector.broadcast %ge3A_41 : i32 to vector<32x128xi32>
    %ge3A_43 = arith.cmpi sge, %iota3A, %ge3A_42 : vector<32x128xi32>
    %slice3A_44 = vector.extract_strided_slice %max3A_40 {offsets = [0, 120], sizes = [32, 8], strides = [1, 1]} : vector<32x128xf32> to vector<32x8xf32>
    %slice3A_45 = vector.extract_strided_slice %max3A_40 {offsets = [0, 0], sizes = [32, 120], strides = [1, 1]} : vector<32x128xf32> to vector<32x120xf32>
    %concatenate3A_46 = tpu.concatenate %slice3A_44, %slice3A_45 in 1 : vector<32x8xf32>, vector<32x120xf32> -> vector<32x128xf32>
    %jit3A_47 = arith.constant 0.000000e+00 : f32
    %broadcast_in_dim3A_48 = vector.broadcast %jit3A_47 : f32 to vector<32x128xf32>
    %select_n3A_49 = arith.select %ge3A_43, %concatenate3A_46, %broadcast_in_dim3A_48 : vector<32x128xi1>, vector<32x128xf32>
    %max3A_50 = arith.maximumf %max3A_40, %select_n3A_49 : vector<32x128xf32>
    %ge3A_51 = arith.constant 16 : i32
    %ge3A_52 = vector.broadcast %ge3A_51 : i32 to vector<32x128xi32>
    %ge3A_53 = arith.cmpi sge, %iota3A, %ge3A_52 : vector<32x128xi32>
    %slice3A_54 = vector.extract_strided_slice %max3A_50 {offsets = [0, 112], sizes = [32, 16], strides = [1, 1]} : vector<32x128xf32> to vector<32x16xf32>
    %slice3A_55 = vector.extract_strided_slice %max3A_50 {offsets = [0, 0], sizes = [32, 112], strides = [1, 1]} : vector<32x128xf32> to vector<32x112xf32>
    %concatenate3A_56 = tpu.concatenate %slice3A_54, %slice3A_55 in 1 : vector<32x16xf32>, vector<32x112xf32> -> vector<32x128xf32>
    %jit3A_57 = arith.constant 0.000000e+00 : f32
    %broadcast_in_dim3A_58 = vector.broadcast %jit3A_57 : f32 to vector<32x128xf32>
    %select_n3A_59 = arith.select %ge3A_53, %concatenate3A_56, %broadcast_in_dim3A_58 : vector<32x128xi1>, vector<32x128xf32>
    %max3A_60 = arith.maximumf %max3A_50, %select_n3A_59 : vector<32x128xf32>
    %ge3A_61 = arith.constant 32 : i32
    %ge3A_62 = vector.broadcast %ge3A_61 : i32 to vector<32x128xi32>
    %ge3A_63 = arith.cmpi sge, %iota3A, %ge3A_62 : vector<32x128xi32>
    %slice3A_64 = vector.extract_strided_slice %max3A_60 {offsets = [0, 96], sizes = [32, 32], strides = [1, 1]} : vector<32x128xf32> to vector<32x32xf32>
    %slice3A_65 = vector.extract_strided_slice %max3A_60 {offsets = [0, 0], sizes = [32, 96], strides = [1, 1]} : vector<32x128xf32> to vector<32x96xf32>
    %concatenate3A_66 = tpu.concatenate %slice3A_64, %slice3A_65 in 1 : vector<32x32xf32>, vector<32x96xf32> -> vector<32x128xf32>
    %jit3A_67 = arith.constant 0.000000e+00 : f32
    %broadcast_in_dim3A_68 = vector.broadcast %jit3A_67 : f32 to vector<32x128xf32>
    %select_n3A_69 = arith.select %ge3A_63, %concatenate3A_66, %broadcast_in_dim3A_68 : vector<32x128xi1>, vector<32x128xf32>
    %max3A_70 = arith.maximumf %max3A_60, %select_n3A_69 : vector<32x128xf32>
    %ge3A_71 = arith.constant 64 : i32
    %ge3A_72 = vector.broadcast %ge3A_71 : i32 to vector<32x128xi32>
    %ge3A_73 = arith.cmpi sge, %iota3A, %ge3A_72 : vector<32x128xi32>
    %slice3A_74 = vector.extract_strided_slice %max3A_70 {offsets = [0, 64], sizes = [32, 64], strides = [1, 1]} : vector<32x128xf32> to vector<32x64xf32>
    %slice3A_75 = vector.extract_strided_slice %max3A_70 {offsets = [0, 0], sizes = [32, 64], strides = [1, 1]} : vector<32x128xf32> to vector<32x64xf32>
    %concatenate3A_76 = tpu.concatenate %slice3A_74, %slice3A_75 in 1 : vector<32x64xf32>, vector<32x64xf32> -> vector<32x128xf32>
    %jit3A_77 = arith.constant 0.000000e+00 : f32
    %broadcast_in_dim3A_78 = vector.broadcast %jit3A_77 : f32 to vector<32x128xf32>
    %select_n3A_79 = arith.select %ge3A_73, %concatenate3A_76, %broadcast_in_dim3A_78 : vector<32x128xi1>, vector<32x128xf32>
    %max3A_80 = arith.maximumf %max3A_70, %select_n3A_79 : vector<32x128xf32>
    %slice3A_81 = vector.extract_strided_slice %max3A_80 {offsets = [0, 127], sizes = [32, 1], strides = [1, 1]} : vector<32x128xf32> to vector<32x1xf32>
    %ge3A_82 = arith.constant 1 : i32
    %ge3A_83 = vector.broadcast %ge3A_82 : i32 to vector<32x1xi32>
    %ge3A_84 = arith.cmpi sge, %iota3A_9, %ge3A_83 : vector<32x1xi32>
    %slice3A_85 = vector.extract_strided_slice %slice3A_81 {offsets = [31, 0], sizes = [1, 1], strides = [1, 1]} : vector<32x1xf32> to vector<1x1xf32>
    %slice3A_86 = vector.extract_strided_slice %slice3A_81 {offsets = [0, 0], sizes = [31, 1], strides = [1, 1]} : vector<32x1xf32> to vector<31x1xf32>
    %concatenate3A_87 = tpu.concatenate %slice3A_85, %slice3A_86 in 0 : vector<1x1xf32>, vector<31x1xf32> -> vector<32x1xf32>
    %jit3A_88 = arith.constant 0.000000e+00 : f32
    %broadcast_in_dim3A_89 = vector.broadcast %jit3A_88 : f32 to vector<32x1xf32>
    %select_n3A_90 = arith.select %ge3A_84, %concatenate3A_87, %broadcast_in_dim3A_89 : vector<32x1xi1>, vector<32x1xf32>
    %ge3A_91 = arith.constant 1 : i32
    %ge3A_92 = vector.broadcast %ge3A_91 : i32 to vector<32x1xi32>
    %ge3A_93 = arith.cmpi sge, %iota3A_9, %ge3A_92 : vector<32x1xi32>
    %slice3A_94 = vector.extract_strided_slice %select_n3A_90 {offsets = [31, 0], sizes = [1, 1], strides = [1, 1]} : vector<32x1xf32> to vector<1x1xf32>
    %slice3A_95 = vector.extract_strided_slice %select_n3A_90 {offsets = [0, 0], sizes = [31, 1], strides = [1, 1]} : vector<32x1xf32> to vector<31x1xf32>
    %concatenate3A_96 = tpu.concatenate %slice3A_94, %slice3A_95 in 0 : vector<1x1xf32>, vector<31x1xf32> -> vector<32x1xf32>
    %jit3A_97 = arith.constant 0.000000e+00 : f32
    %broadcast_in_dim3A_98 = vector.broadcast %jit3A_97 : f32 to vector<32x1xf32>
    %select_n3A_99 = arith.select %ge3A_93, %concatenate3A_96, %broadcast_in_dim3A_98 : vector<32x1xi1>, vector<32x1xf32>
    %max3A_100 = arith.maximumf %select_n3A_90, %select_n3A_99 : vector<32x1xf32>
    %ge3A_101 = arith.constant 2 : i32
    %ge3A_102 = vector.broadcast %ge3A_101 : i32 to vector<32x1xi32>
    %ge3A_103 = arith.cmpi sge, %iota3A_9, %ge3A_102 : vector<32x1xi32>
    %slice3A_104 = vector.extract_strided_slice %max3A_100 {offsets = [30, 0], sizes = [2, 1], strides = [1, 1]} : vector<32x1xf32> to vector<2x1xf32>
    %slice3A_105 = vector.extract_strided_slice %max3A_100 {offsets = [0, 0], sizes = [30, 1], strides = [1, 1]} : vector<32x1xf32> to vector<30x1xf32>
    %concatenate3A_106 = tpu.concatenate %slice3A_104, %slice3A_105 in 0 : vector<2x1xf32>, vector<30x1xf32> -> vector<32x1xf32>
    %jit3A_107 = arith.constant 0.000000e+00 : f32
    %broadcast_in_dim3A_108 = vector.broadcast %jit3A_107 : f32 to vector<32x1xf32>
    %select_n3A_109 = arith.select %ge3A_103, %concatenate3A_106, %broadcast_in_dim3A_108 : vector<32x1xi1>, vector<32x1xf32>
    %max3A_110 = arith.maximumf %max3A_100, %select_n3A_109 : vector<32x1xf32>
    %ge3A_111 = arith.constant 4 : i32
    %ge3A_112 = vector.broadcast %ge3A_111 : i32 to vector<32x1xi32>
    %ge3A_113 = arith.cmpi sge, %iota3A_9, %ge3A_112 : vector<32x1xi32>
    %slice3A_114 = vector.extract_strided_slice %max3A_110 {offsets = [28, 0], sizes = [4, 1], strides = [1, 1]} : vector<32x1xf32> to vector<4x1xf32>
    %slice3A_115 = vector.extract_strided_slice %max3A_110 {offsets = [0, 0], sizes = [28, 1], strides = [1, 1]} : vector<32x1xf32> to vector<28x1xf32>
    %concatenate3A_116 = tpu.concatenate %slice3A_114, %slice3A_115 in 0 : vector<4x1xf32>, vector<28x1xf32> -> vector<32x1xf32>
    %jit3A_117 = arith.constant 0.000000e+00 : f32
    %broadcast_in_dim3A_118 = vector.broadcast %jit3A_117 : f32 to vector<32x1xf32>
    %select_n3A_119 = arith.select %ge3A_113, %concatenate3A_116, %broadcast_in_dim3A_118 : vector<32x1xi1>, vector<32x1xf32>
    %max3A_120 = arith.maximumf %max3A_110, %select_n3A_119 : vector<32x1xf32>
    %ge3A_121 = arith.constant 8 : i32
    %ge3A_122 = vector.broadcast %ge3A_121 : i32 to vector<32x1xi32>
    %ge3A_123 = arith.cmpi sge, %iota3A_9, %ge3A_122 : vector<32x1xi32>
    %slice3A_124 = vector.extract_strided_slice %max3A_120 {offsets = [24, 0], sizes = [8, 1], strides = [1, 1]} : vector<32x1xf32> to vector<8x1xf32>
    %slice3A_125 = vector.extract_strided_slice %max3A_120 {offsets = [0, 0], sizes = [24, 1], strides = [1, 1]} : vector<32x1xf32> to vector<24x1xf32>
    %concatenate3A_126 = tpu.concatenate %slice3A_124, %slice3A_125 in 0 : vector<8x1xf32>, vector<24x1xf32> -> vector<32x1xf32>
    %jit3A_127 = arith.constant 0.000000e+00 : f32
    %broadcast_in_dim3A_128 = vector.broadcast %jit3A_127 : f32 to vector<32x1xf32>
    %select_n3A_129 = arith.select %ge3A_123, %concatenate3A_126, %broadcast_in_dim3A_128 : vector<32x1xi1>, vector<32x1xf32>
    %max3A_130 = arith.maximumf %max3A_120, %select_n3A_129 : vector<32x1xf32>
    %ge3A_131 = arith.constant 16 : i32
    %ge3A_132 = vector.broadcast %ge3A_131 : i32 to vector<32x1xi32>
    %ge3A_133 = arith.cmpi sge, %iota3A_9, %ge3A_132 : vector<32x1xi32>
    %slice3A_134 = vector.extract_strided_slice %max3A_130 {offsets = [16, 0], sizes = [16, 1], strides = [1, 1]} : vector<32x1xf32> to vector<16x1xf32>
    %slice3A_135 = vector.extract_strided_slice %max3A_130 {offsets = [0, 0], sizes = [16, 1], strides = [1, 1]} : vector<32x1xf32> to vector<16x1xf32>
    %concatenate3A_136 = tpu.concatenate %slice3A_134, %slice3A_135 in 0 : vector<16x1xf32>, vector<16x1xf32> -> vector<32x1xf32>
    %jit3A_137 = arith.constant 0.000000e+00 : f32
    %broadcast_in_dim3A_138 = vector.broadcast %jit3A_137 : f32 to vector<32x1xf32>
    %select_n3A_139 = arith.select %ge3A_133, %concatenate3A_136, %broadcast_in_dim3A_138 : vector<32x1xi1>, vector<32x1xf32>
    %max3A_140 = arith.maximumf %max3A_130, %select_n3A_139 : vector<32x1xf32>
    %max3A_141 = vector.broadcast %max3A_140 : vector<32x1xf32> to vector<32x128xf32>
    %max3A_142 = arith.maximumf %max3A_80, %max3A_141 : vector<32x128xf32>
    %ge3A_143 = arith.constant 1 : i32
    %ge3A_144 = vector.broadcast %ge3A_143 : i32 to vector<32x128xi32>
    %ge3A_145 = arith.cmpi sge, %iota3A, %ge3A_144 : vector<32x128xi32>
    %slice3A_146 = vector.extract_strided_slice %max3A_142 {offsets = [0, 127], sizes = [32, 1], strides = [1, 1]} : vector<32x128xf32> to vector<32x1xf32>
    %slice3A_147 = vector.extract_strided_slice %max3A_142 {offsets = [0, 0], sizes = [32, 127], strides = [1, 1]} : vector<32x128xf32> to vector<32x127xf32>
    %concatenate3A_148 = tpu.concatenate %slice3A_146, %slice3A_147 in 1 : vector<32x1xf32>, vector<32x127xf32> -> vector<32x128xf32>
    %broadcast_in_dim3A_149 = vector.shape_cast %max3A_140 : vector<32x1xf32> to vector<32x1xf32>
    %broadcast_in_dim3A_150 = vector.broadcast %broadcast_in_dim3A_149 : vector<32x1xf32> to vector<32x128xf32>
    %select_n3A_151 = arith.select %ge3A_145, %concatenate3A_148, %broadcast_in_dim3A_150 : vector<32x128xi1>, vector<32x128xf32>
    %eq3A_152 = arith.constant 1 : i32
    %eq3A_153 = vector.broadcast %eq3A_152 : i32 to vector<32x128xi32>
    %eq3A_154 = arith.cmpi eq, %and3A_6, %eq3A_153 : vector<32x128xi32>
    %eq3A_155 = arith.constant 1 : i32
    %eq3A_156 = vector.broadcast %eq3A_155 : i32 to vector<32x128xi32>
    %eq3A_157 = arith.cmpi eq, %shift_right_logical3A_8, %eq3A_156 : vector<32x128xi32>
    %or3A_158 = arith.ori %eq3A_154, %eq3A_157 : vector<32x128xi1>
    %jit3A_159 = arith.constant 0.000000e+00 : f32
    %broadcast_in_dim3A_160 = vector.broadcast %jit3A_159 : f32 to vector<32x128xf32>
    %select_n3A_161 = arith.select %or3A_158, %get3A_1, %broadcast_in_dim3A_160 : vector<32x128xi1>, vector<32x128xf32>
    %ge3A_162 = arith.constant 1 : i32
    %ge3A_163 = vector.broadcast %ge3A_162 : i32 to vector<32x128xi32>
    %ge3A_164 = arith.cmpi sge, %iota3A, %ge3A_163 : vector<32x128xi32>
    %slice3A_165 = vector.extract_strided_slice %select_n3A_161 {offsets = [0, 127], sizes = [32, 1], strides = [1, 1]} : vector<32x128xf32> to vector<32x1xf32>
    %slice3A_166 = vector.extract_strided_slice %select_n3A_161 {offsets = [0, 0], sizes = [32, 127], strides = [1, 1]} : vector<32x128xf32> to vector<32x127xf32>
    %concatenate3A_167 = tpu.concatenate %slice3A_165, %slice3A_166 in 1 : vector<32x1xf32>, vector<32x127xf32> -> vector<32x128xf32>
    %jit3A_168 = arith.constant 0.000000e+00 : f32
    %broadcast_in_dim3A_169 = vector.broadcast %jit3A_168 : f32 to vector<32x128xf32>
    %select_n3A_170 = arith.select %ge3A_164, %concatenate3A_167, %broadcast_in_dim3A_169 : vector<32x128xi1>, vector<32x128xf32>
    %max3A_171 = arith.maximumf %select_n3A_161, %select_n3A_170 : vector<32x128xf32>
    %ge3A_172 = arith.constant 2 : i32
    %ge3A_173 = vector.broadcast %ge3A_172 : i32 to vector<32x128xi32>
    %ge3A_174 = arith.cmpi sge, %iota3A, %ge3A_173 : vector<32x128xi32>
    %slice3A_175 = vector.extract_strided_slice %max3A_171 {offsets = [0, 126], sizes = [32, 2], strides = [1, 1]} : vector<32x128xf32> to vector<32x2xf32>
    %slice3A_176 = vector.extract_strided_slice %max3A_171 {offsets = [0, 0], sizes = [32, 126], strides = [1, 1]} : vector<32x128xf32> to vector<32x126xf32>
    %concatenate3A_177 = tpu.concatenate %slice3A_175, %slice3A_176 in 1 : vector<32x2xf32>, vector<32x126xf32> -> vector<32x128xf32>
    %jit3A_178 = arith.constant 0.000000e+00 : f32
    %broadcast_in_dim3A_179 = vector.broadcast %jit3A_178 : f32 to vector<32x128xf32>
    %select_n3A_180 = arith.select %ge3A_174, %concatenate3A_177, %broadcast_in_dim3A_179 : vector<32x128xi1>, vector<32x128xf32>
    %max3A_181 = arith.maximumf %max3A_171, %select_n3A_180 : vector<32x128xf32>
    %ge3A_182 = arith.constant 4 : i32
    %ge3A_183 = vector.broadcast %ge3A_182 : i32 to vector<32x128xi32>
    %ge3A_184 = arith.cmpi sge, %iota3A, %ge3A_183 : vector<32x128xi32>
    %slice3A_185 = vector.extract_strided_slice %max3A_181 {offsets = [0, 124], sizes = [32, 4], strides = [1, 1]} : vector<32x128xf32> to vector<32x4xf32>
    %slice3A_186 = vector.extract_strided_slice %max3A_181 {offsets = [0, 0], sizes = [32, 124], strides = [1, 1]} : vector<32x128xf32> to vector<32x124xf32>
    %concatenate3A_187 = tpu.concatenate %slice3A_185, %slice3A_186 in 1 : vector<32x4xf32>, vector<32x124xf32> -> vector<32x128xf32>
    %jit3A_188 = arith.constant 0.000000e+00 : f32
    %broadcast_in_dim3A_189 = vector.broadcast %jit3A_188 : f32 to vector<32x128xf32>
    %select_n3A_190 = arith.select %ge3A_184, %concatenate3A_187, %broadcast_in_dim3A_189 : vector<32x128xi1>, vector<32x128xf32>
    %max3A_191 = arith.maximumf %max3A_181, %select_n3A_190 : vector<32x128xf32>
    %ge3A_192 = arith.constant 8 : i32
    %ge3A_193 = vector.broadcast %ge3A_192 : i32 to vector<32x128xi32>
    %ge3A_194 = arith.cmpi sge, %iota3A, %ge3A_193 : vector<32x128xi32>
    %slice3A_195 = vector.extract_strided_slice %max3A_191 {offsets = [0, 120], sizes = [32, 8], strides = [1, 1]} : vector<32x128xf32> to vector<32x8xf32>
    %slice3A_196 = vector.extract_strided_slice %max3A_191 {offsets = [0, 0], sizes = [32, 120], strides = [1, 1]} : vector<32x128xf32> to vector<32x120xf32>
    %concatenate3A_197 = tpu.concatenate %slice3A_195, %slice3A_196 in 1 : vector<32x8xf32>, vector<32x120xf32> -> vector<32x128xf32>
    %jit3A_198 = arith.constant 0.000000e+00 : f32
    %broadcast_in_dim3A_199 = vector.broadcast %jit3A_198 : f32 to vector<32x128xf32>
    %select_n3A_200 = arith.select %ge3A_194, %concatenate3A_197, %broadcast_in_dim3A_199 : vector<32x128xi1>, vector<32x128xf32>
    %max3A_201 = arith.maximumf %max3A_191, %select_n3A_200 : vector<32x128xf32>
    %ge3A_202 = arith.constant 16 : i32
    %ge3A_203 = vector.broadcast %ge3A_202 : i32 to vector<32x128xi32>
    %ge3A_204 = arith.cmpi sge, %iota3A, %ge3A_203 : vector<32x128xi32>
    %slice3A_205 = vector.extract_strided_slice %max3A_201 {offsets = [0, 112], sizes = [32, 16], strides = [1, 1]} : vector<32x128xf32> to vector<32x16xf32>
    %slice3A_206 = vector.extract_strided_slice %max3A_201 {offsets = [0, 0], sizes = [32, 112], strides = [1, 1]} : vector<32x128xf32> to vector<32x112xf32>
    %concatenate3A_207 = tpu.concatenate %slice3A_205, %slice3A_206 in 1 : vector<32x16xf32>, vector<32x112xf32> -> vector<32x128xf32>
    %jit3A_208 = arith.constant 0.000000e+00 : f32
    %broadcast_in_dim3A_209 = vector.broadcast %jit3A_208 : f32 to vector<32x128xf32>
    %select_n3A_210 = arith.select %ge3A_204, %concatenate3A_207, %broadcast_in_dim3A_209 : vector<32x128xi1>, vector<32x128xf32>
    %max3A_211 = arith.maximumf %max3A_201, %select_n3A_210 : vector<32x128xf32>
    %ge3A_212 = arith.constant 32 : i32
    %ge3A_213 = vector.broadcast %ge3A_212 : i32 to vector<32x128xi32>
    %ge3A_214 = arith.cmpi sge, %iota3A, %ge3A_213 : vector<32x128xi32>
    %slice3A_215 = vector.extract_strided_slice %max3A_211 {offsets = [0, 96], sizes = [32, 32], strides = [1, 1]} : vector<32x128xf32> to vector<32x32xf32>
    %slice3A_216 = vector.extract_strided_slice %max3A_211 {offsets = [0, 0], sizes = [32, 96], strides = [1, 1]} : vector<32x128xf32> to vector<32x96xf32>
    %concatenate3A_217 = tpu.concatenate %slice3A_215, %slice3A_216 in 1 : vector<32x32xf32>, vector<32x96xf32> -> vector<32x128xf32>
    %jit3A_218 = arith.constant 0.000000e+00 : f32
    %broadcast_in_dim3A_219 = vector.broadcast %jit3A_218 : f32 to vector<32x128xf32>
    %select_n3A_220 = arith.select %ge3A_214, %concatenate3A_217, %broadcast_in_dim3A_219 : vector<32x128xi1>, vector<32x128xf32>
    %max3A_221 = arith.maximumf %max3A_211, %select_n3A_220 : vector<32x128xf32>
    %ge3A_222 = arith.constant 64 : i32
    %ge3A_223 = vector.broadcast %ge3A_222 : i32 to vector<32x128xi32>
    %ge3A_224 = arith.cmpi sge, %iota3A, %ge3A_223 : vector<32x128xi32>
    %slice3A_225 = vector.extract_strided_slice %max3A_221 {offsets = [0, 64], sizes = [32, 64], strides = [1, 1]} : vector<32x128xf32> to vector<32x64xf32>
    %slice3A_226 = vector.extract_strided_slice %max3A_221 {offsets = [0, 0], sizes = [32, 64], strides = [1, 1]} : vector<32x128xf32> to vector<32x64xf32>
    %concatenate3A_227 = tpu.concatenate %slice3A_225, %slice3A_226 in 1 : vector<32x64xf32>, vector<32x64xf32> -> vector<32x128xf32>
    %jit3A_228 = arith.constant 0.000000e+00 : f32
    %broadcast_in_dim3A_229 = vector.broadcast %jit3A_228 : f32 to vector<32x128xf32>
    %select_n3A_230 = arith.select %ge3A_224, %concatenate3A_227, %broadcast_in_dim3A_229 : vector<32x128xi1>, vector<32x128xf32>
    %max3A_231 = arith.maximumf %max3A_221, %select_n3A_230 : vector<32x128xf32>
    %slice3A_232 = vector.extract_strided_slice %max3A_231 {offsets = [0, 127], sizes = [32, 1], strides = [1, 1]} : vector<32x128xf32> to vector<32x1xf32>
    %ge3A_233 = arith.constant 1 : i32
    %ge3A_234 = vector.broadcast %ge3A_233 : i32 to vector<32x1xi32>
    %ge3A_235 = arith.cmpi sge, %iota3A_9, %ge3A_234 : vector<32x1xi32>
    %slice3A_236 = vector.extract_strided_slice %slice3A_232 {offsets = [31, 0], sizes = [1, 1], strides = [1, 1]} : vector<32x1xf32> to vector<1x1xf32>
    %slice3A_237 = vector.extract_strided_slice %slice3A_232 {offsets = [0, 0], sizes = [31, 1], strides = [1, 1]} : vector<32x1xf32> to vector<31x1xf32>
    %concatenate3A_238 = tpu.concatenate %slice3A_236, %slice3A_237 in 0 : vector<1x1xf32>, vector<31x1xf32> -> vector<32x1xf32>
    %jit3A_239 = arith.constant 0.000000e+00 : f32
    %broadcast_in_dim3A_240 = vector.broadcast %jit3A_239 : f32 to vector<32x1xf32>
    %select_n3A_241 = arith.select %ge3A_235, %concatenate3A_238, %broadcast_in_dim3A_240 : vector<32x1xi1>, vector<32x1xf32>
    %ge3A_242 = arith.constant 1 : i32
    %ge3A_243 = vector.broadcast %ge3A_242 : i32 to vector<32x1xi32>
    %ge3A_244 = arith.cmpi sge, %iota3A_9, %ge3A_243 : vector<32x1xi32>
    %slice3A_245 = vector.extract_strided_slice %select_n3A_241 {offsets = [31, 0], sizes = [1, 1], strides = [1, 1]} : vector<32x1xf32> to vector<1x1xf32>
    %slice3A_246 = vector.extract_strided_slice %select_n3A_241 {offsets = [0, 0], sizes = [31, 1], strides = [1, 1]} : vector<32x1xf32> to vector<31x1xf32>
    %concatenate3A_247 = tpu.concatenate %slice3A_245, %slice3A_246 in 0 : vector<1x1xf32>, vector<31x1xf32> -> vector<32x1xf32>
    %jit3A_248 = arith.constant 0.000000e+00 : f32
    %broadcast_in_dim3A_249 = vector.broadcast %jit3A_248 : f32 to vector<32x1xf32>
    %select_n3A_250 = arith.select %ge3A_244, %concatenate3A_247, %broadcast_in_dim3A_249 : vector<32x1xi1>, vector<32x1xf32>
    %max3A_251 = arith.maximumf %select_n3A_241, %select_n3A_250 : vector<32x1xf32>
    %ge3A_252 = arith.constant 2 : i32
    %ge3A_253 = vector.broadcast %ge3A_252 : i32 to vector<32x1xi32>
    %ge3A_254 = arith.cmpi sge, %iota3A_9, %ge3A_253 : vector<32x1xi32>
    %slice3A_255 = vector.extract_strided_slice %max3A_251 {offsets = [30, 0], sizes = [2, 1], strides = [1, 1]} : vector<32x1xf32> to vector<2x1xf32>
    %slice3A_256 = vector.extract_strided_slice %max3A_251 {offsets = [0, 0], sizes = [30, 1], strides = [1, 1]} : vector<32x1xf32> to vector<30x1xf32>
    %concatenate3A_257 = tpu.concatenate %slice3A_255, %slice3A_256 in 0 : vector<2x1xf32>, vector<30x1xf32> -> vector<32x1xf32>
    %jit3A_258 = arith.constant 0.000000e+00 : f32
    %broadcast_in_dim3A_259 = vector.broadcast %jit3A_258 : f32 to vector<32x1xf32>
    %select_n3A_260 = arith.select %ge3A_254, %concatenate3A_257, %broadcast_in_dim3A_259 : vector<32x1xi1>, vector<32x1xf32>
    %max3A_261 = arith.maximumf %max3A_251, %select_n3A_260 : vector<32x1xf32>
    %ge3A_262 = arith.constant 4 : i32
    %ge3A_263 = vector.broadcast %ge3A_262 : i32 to vector<32x1xi32>
    %ge3A_264 = arith.cmpi sge, %iota3A_9, %ge3A_263 : vector<32x1xi32>
    %slice3A_265 = vector.extract_strided_slice %max3A_261 {offsets = [28, 0], sizes = [4, 1], strides = [1, 1]} : vector<32x1xf32> to vector<4x1xf32>
    %slice3A_266 = vector.extract_strided_slice %max3A_261 {offsets = [0, 0], sizes = [28, 1], strides = [1, 1]} : vector<32x1xf32> to vector<28x1xf32>
    %concatenate3A_267 = tpu.concatenate %slice3A_265, %slice3A_266 in 0 : vector<4x1xf32>, vector<28x1xf32> -> vector<32x1xf32>
    %jit3A_268 = arith.constant 0.000000e+00 : f32
    %broadcast_in_dim3A_269 = vector.broadcast %jit3A_268 : f32 to vector<32x1xf32>
    %select_n3A_270 = arith.select %ge3A_264, %concatenate3A_267, %broadcast_in_dim3A_269 : vector<32x1xi1>, vector<32x1xf32>
    %max3A_271 = arith.maximumf %max3A_261, %select_n3A_270 : vector<32x1xf32>
    %ge3A_272 = arith.constant 8 : i32
    %ge3A_273 = vector.broadcast %ge3A_272 : i32 to vector<32x1xi32>
    %ge3A_274 = arith.cmpi sge, %iota3A_9, %ge3A_273 : vector<32x1xi32>
    %slice3A_275 = vector.extract_strided_slice %max3A_271 {offsets = [24, 0], sizes = [8, 1], strides = [1, 1]} : vector<32x1xf32> to vector<8x1xf32>
    %slice3A_276 = vector.extract_strided_slice %max3A_271 {offsets = [0, 0], sizes = [24, 1], strides = [1, 1]} : vector<32x1xf32> to vector<24x1xf32>
    %concatenate3A_277 = tpu.concatenate %slice3A_275, %slice3A_276 in 0 : vector<8x1xf32>, vector<24x1xf32> -> vector<32x1xf32>
    %jit3A_278 = arith.constant 0.000000e+00 : f32
    %broadcast_in_dim3A_279 = vector.broadcast %jit3A_278 : f32 to vector<32x1xf32>
    %select_n3A_280 = arith.select %ge3A_274, %concatenate3A_277, %broadcast_in_dim3A_279 : vector<32x1xi1>, vector<32x1xf32>
    %max3A_281 = arith.maximumf %max3A_271, %select_n3A_280 : vector<32x1xf32>
    %ge3A_282 = arith.constant 16 : i32
    %ge3A_283 = vector.broadcast %ge3A_282 : i32 to vector<32x1xi32>
    %ge3A_284 = arith.cmpi sge, %iota3A_9, %ge3A_283 : vector<32x1xi32>
    %slice3A_285 = vector.extract_strided_slice %max3A_281 {offsets = [16, 0], sizes = [16, 1], strides = [1, 1]} : vector<32x1xf32> to vector<16x1xf32>
    %slice3A_286 = vector.extract_strided_slice %max3A_281 {offsets = [0, 0], sizes = [16, 1], strides = [1, 1]} : vector<32x1xf32> to vector<16x1xf32>
    %concatenate3A_287 = tpu.concatenate %slice3A_285, %slice3A_286 in 0 : vector<16x1xf32>, vector<16x1xf32> -> vector<32x1xf32>
    %jit3A_288 = arith.constant 0.000000e+00 : f32
    %broadcast_in_dim3A_289 = vector.broadcast %jit3A_288 : f32 to vector<32x1xf32>
    %select_n3A_290 = arith.select %ge3A_284, %concatenate3A_287, %broadcast_in_dim3A_289 : vector<32x1xi1>, vector<32x1xf32>
    %max3A_291 = arith.maximumf %max3A_281, %select_n3A_290 : vector<32x1xf32>
    %max3A_292 = vector.broadcast %max3A_291 : vector<32x1xf32> to vector<32x128xf32>
    %max3A_293 = arith.maximumf %max3A_231, %max3A_292 : vector<32x128xf32>
    %ge3A_294 = arith.constant 1 : i32
    %ge3A_295 = vector.broadcast %ge3A_294 : i32 to vector<32x128xi32>
    %ge3A_296 = arith.cmpi sge, %iota3A, %ge3A_295 : vector<32x128xi32>
    %slice3A_297 = vector.extract_strided_slice %max3A_293 {offsets = [0, 127], sizes = [32, 1], strides = [1, 1]} : vector<32x128xf32> to vector<32x1xf32>
    %slice3A_298 = vector.extract_strided_slice %max3A_293 {offsets = [0, 0], sizes = [32, 127], strides = [1, 1]} : vector<32x128xf32> to vector<32x127xf32>
    %concatenate3A_299 = tpu.concatenate %slice3A_297, %slice3A_298 in 1 : vector<32x1xf32>, vector<32x127xf32> -> vector<32x128xf32>
    %broadcast_in_dim3A_300 = vector.shape_cast %max3A_291 : vector<32x1xf32> to vector<32x1xf32>
    %broadcast_in_dim3A_301 = vector.broadcast %broadcast_in_dim3A_300 : vector<32x1xf32> to vector<32x128xf32>
    %select_n3A_302 = arith.select %ge3A_296, %concatenate3A_299, %broadcast_in_dim3A_301 : vector<32x128xi1>, vector<32x128xf32>
    %eq3A_303 = arith.constant 2 : i32
    %eq3A_304 = vector.broadcast %eq3A_303 : i32 to vector<32x128xi32>
    %eq3A_305 = arith.cmpi eq, %and3A_6, %eq3A_304 : vector<32x128xi32>
    %eq3A_306 = arith.constant 2 : i32
    %eq3A_307 = vector.broadcast %eq3A_306 : i32 to vector<32x128xi32>
    %eq3A_308 = arith.cmpi eq, %shift_right_logical3A_8, %eq3A_307 : vector<32x128xi32>
    %or3A_309 = arith.ori %eq3A_305, %eq3A_308 : vector<32x128xi1>
    %jit3A_310 = arith.constant 0.000000e+00 : f32
    %broadcast_in_dim3A_311 = vector.broadcast %jit3A_310 : f32 to vector<32x128xf32>
    %select_n3A_312 = arith.select %or3A_309, %get3A_1, %broadcast_in_dim3A_311 : vector<32x128xi1>, vector<32x128xf32>
    %ge3A_313 = arith.constant 1 : i32
    %ge3A_314 = vector.broadcast %ge3A_313 : i32 to vector<32x128xi32>
    %ge3A_315 = arith.cmpi sge, %iota3A, %ge3A_314 : vector<32x128xi32>
    %slice3A_316 = vector.extract_strided_slice %select_n3A_312 {offsets = [0, 127], sizes = [32, 1], strides = [1, 1]} : vector<32x128xf32> to vector<32x1xf32>
    %slice3A_317 = vector.extract_strided_slice %select_n3A_312 {offsets = [0, 0], sizes = [32, 127], strides = [1, 1]} : vector<32x128xf32> to vector<32x127xf32>
    %concatenate3A_318 = tpu.concatenate %slice3A_316, %slice3A_317 in 1 : vector<32x1xf32>, vector<32x127xf32> -> vector<32x128xf32>
    %jit3A_319 = arith.constant 0.000000e+00 : f32
    %broadcast_in_dim3A_320 = vector.broadcast %jit3A_319 : f32 to vector<32x128xf32>
    %select_n3A_321 = arith.select %ge3A_315, %concatenate3A_318, %broadcast_in_dim3A_320 : vector<32x128xi1>, vector<32x128xf32>
    %max3A_322 = arith.maximumf %select_n3A_312, %select_n3A_321 : vector<32x128xf32>
    %ge3A_323 = arith.constant 2 : i32
    %ge3A_324 = vector.broadcast %ge3A_323 : i32 to vector<32x128xi32>
    %ge3A_325 = arith.cmpi sge, %iota3A, %ge3A_324 : vector<32x128xi32>
    %slice3A_326 = vector.extract_strided_slice %max3A_322 {offsets = [0, 126], sizes = [32, 2], strides = [1, 1]} : vector<32x128xf32> to vector<32x2xf32>
    %slice3A_327 = vector.extract_strided_slice %max3A_322 {offsets = [0, 0], sizes = [32, 126], strides = [1, 1]} : vector<32x128xf32> to vector<32x126xf32>
    %concatenate3A_328 = tpu.concatenate %slice3A_326, %slice3A_327 in 1 : vector<32x2xf32>, vector<32x126xf32> -> vector<32x128xf32>
    %jit3A_329 = arith.constant 0.000000e+00 : f32
    %broadcast_in_dim3A_330 = vector.broadcast %jit3A_329 : f32 to vector<32x128xf32>
    %select_n3A_331 = arith.select %ge3A_325, %concatenate3A_328, %broadcast_in_dim3A_330 : vector<32x128xi1>, vector<32x128xf32>
    %max3A_332 = arith.maximumf %max3A_322, %select_n3A_331 : vector<32x128xf32>
    %ge3A_333 = arith.constant 4 : i32
    %ge3A_334 = vector.broadcast %ge3A_333 : i32 to vector<32x128xi32>
    %ge3A_335 = arith.cmpi sge, %iota3A, %ge3A_334 : vector<32x128xi32>
    %slice3A_336 = vector.extract_strided_slice %max3A_332 {offsets = [0, 124], sizes = [32, 4], strides = [1, 1]} : vector<32x128xf32> to vector<32x4xf32>
    %slice3A_337 = vector.extract_strided_slice %max3A_332 {offsets = [0, 0], sizes = [32, 124], strides = [1, 1]} : vector<32x128xf32> to vector<32x124xf32>
    %concatenate3A_338 = tpu.concatenate %slice3A_336, %slice3A_337 in 1 : vector<32x4xf32>, vector<32x124xf32> -> vector<32x128xf32>
    %jit3A_339 = arith.constant 0.000000e+00 : f32
    %broadcast_in_dim3A_340 = vector.broadcast %jit3A_339 : f32 to vector<32x128xf32>
    %select_n3A_341 = arith.select %ge3A_335, %concatenate3A_338, %broadcast_in_dim3A_340 : vector<32x128xi1>, vector<32x128xf32>
    %max3A_342 = arith.maximumf %max3A_332, %select_n3A_341 : vector<32x128xf32>
    %ge3A_343 = arith.constant 8 : i32
    %ge3A_344 = vector.broadcast %ge3A_343 : i32 to vector<32x128xi32>
    %ge3A_345 = arith.cmpi sge, %iota3A, %ge3A_344 : vector<32x128xi32>
    %slice3A_346 = vector.extract_strided_slice %max3A_342 {offsets = [0, 120], sizes = [32, 8], strides = [1, 1]} : vector<32x128xf32> to vector<32x8xf32>
    %slice3A_347 = vector.extract_strided_slice %max3A_342 {offsets = [0, 0], sizes = [32, 120], strides = [1, 1]} : vector<32x128xf32> to vector<32x120xf32>
    %concatenate3A_348 = tpu.concatenate %slice3A_346, %slice3A_347 in 1 : vector<32x8xf32>, vector<32x120xf32> -> vector<32x128xf32>
    %jit3A_349 = arith.constant 0.000000e+00 : f32
    %broadcast_in_dim3A_350 = vector.broadcast %jit3A_349 : f32 to vector<32x128xf32>
    %select_n3A_351 = arith.select %ge3A_345, %concatenate3A_348, %broadcast_in_dim3A_350 : vector<32x128xi1>, vector<32x128xf32>
    %max3A_352 = arith.maximumf %max3A_342, %select_n3A_351 : vector<32x128xf32>
    %ge3A_353 = arith.constant 16 : i32
    %ge3A_354 = vector.broadcast %ge3A_353 : i32 to vector<32x128xi32>
    %ge3A_355 = arith.cmpi sge, %iota3A, %ge3A_354 : vector<32x128xi32>
    %slice3A_356 = vector.extract_strided_slice %max3A_352 {offsets = [0, 112], sizes = [32, 16], strides = [1, 1]} : vector<32x128xf32> to vector<32x16xf32>
    %slice3A_357 = vector.extract_strided_slice %max3A_352 {offsets = [0, 0], sizes = [32, 112], strides = [1, 1]} : vector<32x128xf32> to vector<32x112xf32>
    %concatenate3A_358 = tpu.concatenate %slice3A_356, %slice3A_357 in 1 : vector<32x16xf32>, vector<32x112xf32> -> vector<32x128xf32>
    %jit3A_359 = arith.constant 0.000000e+00 : f32
    %broadcast_in_dim3A_360 = vector.broadcast %jit3A_359 : f32 to vector<32x128xf32>
    %select_n3A_361 = arith.select %ge3A_355, %concatenate3A_358, %broadcast_in_dim3A_360 : vector<32x128xi1>, vector<32x128xf32>
    %max3A_362 = arith.maximumf %max3A_352, %select_n3A_361 : vector<32x128xf32>
    %ge3A_363 = arith.constant 32 : i32
    %ge3A_364 = vector.broadcast %ge3A_363 : i32 to vector<32x128xi32>
    %ge3A_365 = arith.cmpi sge, %iota3A, %ge3A_364 : vector<32x128xi32>
    %slice3A_366 = vector.extract_strided_slice %max3A_362 {offsets = [0, 96], sizes = [32, 32], strides = [1, 1]} : vector<32x128xf32> to vector<32x32xf32>
    %slice3A_367 = vector.extract_strided_slice %max3A_362 {offsets = [0, 0], sizes = [32, 96], strides = [1, 1]} : vector<32x128xf32> to vector<32x96xf32>
    %concatenate3A_368 = tpu.concatenate %slice3A_366, %slice3A_367 in 1 : vector<32x32xf32>, vector<32x96xf32> -> vector<32x128xf32>
    %jit3A_369 = arith.constant 0.000000e+00 : f32
    %broadcast_in_dim3A_370 = vector.broadcast %jit3A_369 : f32 to vector<32x128xf32>
    %select_n3A_371 = arith.select %ge3A_365, %concatenate3A_368, %broadcast_in_dim3A_370 : vector<32x128xi1>, vector<32x128xf32>
    %max3A_372 = arith.maximumf %max3A_362, %select_n3A_371 : vector<32x128xf32>
    %ge3A_373 = arith.constant 64 : i32
    %ge3A_374 = vector.broadcast %ge3A_373 : i32 to vector<32x128xi32>
    %ge3A_375 = arith.cmpi sge, %iota3A, %ge3A_374 : vector<32x128xi32>
    %slice3A_376 = vector.extract_strided_slice %max3A_372 {offsets = [0, 64], sizes = [32, 64], strides = [1, 1]} : vector<32x128xf32> to vector<32x64xf32>
    %slice3A_377 = vector.extract_strided_slice %max3A_372 {offsets = [0, 0], sizes = [32, 64], strides = [1, 1]} : vector<32x128xf32> to vector<32x64xf32>
    %concatenate3A_378 = tpu.concatenate %slice3A_376, %slice3A_377 in 1 : vector<32x64xf32>, vector<32x64xf32> -> vector<32x128xf32>
    %jit3A_379 = arith.constant 0.000000e+00 : f32
    %broadcast_in_dim3A_380 = vector.broadcast %jit3A_379 : f32 to vector<32x128xf32>
    %select_n3A_381 = arith.select %ge3A_375, %concatenate3A_378, %broadcast_in_dim3A_380 : vector<32x128xi1>, vector<32x128xf32>
    %max3A_382 = arith.maximumf %max3A_372, %select_n3A_381 : vector<32x128xf32>
    %slice3A_383 = vector.extract_strided_slice %max3A_382 {offsets = [0, 127], sizes = [32, 1], strides = [1, 1]} : vector<32x128xf32> to vector<32x1xf32>
    %ge3A_384 = arith.constant 1 : i32
    %ge3A_385 = vector.broadcast %ge3A_384 : i32 to vector<32x1xi32>
    %ge3A_386 = arith.cmpi sge, %iota3A_9, %ge3A_385 : vector<32x1xi32>
    %slice3A_387 = vector.extract_strided_slice %slice3A_383 {offsets = [31, 0], sizes = [1, 1], strides = [1, 1]} : vector<32x1xf32> to vector<1x1xf32>
    %slice3A_388 = vector.extract_strided_slice %slice3A_383 {offsets = [0, 0], sizes = [31, 1], strides = [1, 1]} : vector<32x1xf32> to vector<31x1xf32>
    %concatenate3A_389 = tpu.concatenate %slice3A_387, %slice3A_388 in 0 : vector<1x1xf32>, vector<31x1xf32> -> vector<32x1xf32>
    %jit3A_390 = arith.constant 0.000000e+00 : f32
    %broadcast_in_dim3A_391 = vector.broadcast %jit3A_390 : f32 to vector<32x1xf32>
    %select_n3A_392 = arith.select %ge3A_386, %concatenate3A_389, %broadcast_in_dim3A_391 : vector<32x1xi1>, vector<32x1xf32>
    %ge3A_393 = arith.constant 1 : i32
    %ge3A_394 = vector.broadcast %ge3A_393 : i32 to vector<32x1xi32>
    %ge3A_395 = arith.cmpi sge, %iota3A_9, %ge3A_394 : vector<32x1xi32>
    %slice3A_396 = vector.extract_strided_slice %select_n3A_392 {offsets = [31, 0], sizes = [1, 1], strides = [1, 1]} : vector<32x1xf32> to vector<1x1xf32>
    %slice3A_397 = vector.extract_strided_slice %select_n3A_392 {offsets = [0, 0], sizes = [31, 1], strides = [1, 1]} : vector<32x1xf32> to vector<31x1xf32>
    %concatenate3A_398 = tpu.concatenate %slice3A_396, %slice3A_397 in 0 : vector<1x1xf32>, vector<31x1xf32> -> vector<32x1xf32>
    %jit3A_399 = arith.constant 0.000000e+00 : f32
    %broadcast_in_dim3A_400 = vector.broadcast %jit3A_399 : f32 to vector<32x1xf32>
    %select_n3A_401 = arith.select %ge3A_395, %concatenate3A_398, %broadcast_in_dim3A_400 : vector<32x1xi1>, vector<32x1xf32>
    %max3A_402 = arith.maximumf %select_n3A_392, %select_n3A_401 : vector<32x1xf32>
    %ge3A_403 = arith.constant 2 : i32
    %ge3A_404 = vector.broadcast %ge3A_403 : i32 to vector<32x1xi32>
    %ge3A_405 = arith.cmpi sge, %iota3A_9, %ge3A_404 : vector<32x1xi32>
    %slice3A_406 = vector.extract_strided_slice %max3A_402 {offsets = [30, 0], sizes = [2, 1], strides = [1, 1]} : vector<32x1xf32> to vector<2x1xf32>
    %slice3A_407 = vector.extract_strided_slice %max3A_402 {offsets = [0, 0], sizes = [30, 1], strides = [1, 1]} : vector<32x1xf32> to vector<30x1xf32>
    %concatenate3A_408 = tpu.concatenate %slice3A_406, %slice3A_407 in 0 : vector<2x1xf32>, vector<30x1xf32> -> vector<32x1xf32>
    %jit3A_409 = arith.constant 0.000000e+00 : f32
    %broadcast_in_dim3A_410 = vector.broadcast %jit3A_409 : f32 to vector<32x1xf32>
    %select_n3A_411 = arith.select %ge3A_405, %concatenate3A_408, %broadcast_in_dim3A_410 : vector<32x1xi1>, vector<32x1xf32>
    %max3A_412 = arith.maximumf %max3A_402, %select_n3A_411 : vector<32x1xf32>
    %ge3A_413 = arith.constant 4 : i32
    %ge3A_414 = vector.broadcast %ge3A_413 : i32 to vector<32x1xi32>
    %ge3A_415 = arith.cmpi sge, %iota3A_9, %ge3A_414 : vector<32x1xi32>
    %slice3A_416 = vector.extract_strided_slice %max3A_412 {offsets = [28, 0], sizes = [4, 1], strides = [1, 1]} : vector<32x1xf32> to vector<4x1xf32>
    %slice3A_417 = vector.extract_strided_slice %max3A_412 {offsets = [0, 0], sizes = [28, 1], strides = [1, 1]} : vector<32x1xf32> to vector<28x1xf32>
    %concatenate3A_418 = tpu.concatenate %slice3A_416, %slice3A_417 in 0 : vector<4x1xf32>, vector<28x1xf32> -> vector<32x1xf32>
    %jit3A_419 = arith.constant 0.000000e+00 : f32
    %broadcast_in_dim3A_420 = vector.broadcast %jit3A_419 : f32 to vector<32x1xf32>
    %select_n3A_421 = arith.select %ge3A_415, %concatenate3A_418, %broadcast_in_dim3A_420 : vector<32x1xi1>, vector<32x1xf32>
    %max3A_422 = arith.maximumf %max3A_412, %select_n3A_421 : vector<32x1xf32>
    %ge3A_423 = arith.constant 8 : i32
    %ge3A_424 = vector.broadcast %ge3A_423 : i32 to vector<32x1xi32>
    %ge3A_425 = arith.cmpi sge, %iota3A_9, %ge3A_424 : vector<32x1xi32>
    %slice3A_426 = vector.extract_strided_slice %max3A_422 {offsets = [24, 0], sizes = [8, 1], strides = [1, 1]} : vector<32x1xf32> to vector<8x1xf32>
    %slice3A_427 = vector.extract_strided_slice %max3A_422 {offsets = [0, 0], sizes = [24, 1], strides = [1, 1]} : vector<32x1xf32> to vector<24x1xf32>
    %concatenate3A_428 = tpu.concatenate %slice3A_426, %slice3A_427 in 0 : vector<8x1xf32>, vector<24x1xf32> -> vector<32x1xf32>
    %jit3A_429 = arith.constant 0.000000e+00 : f32
    %broadcast_in_dim3A_430 = vector.broadcast %jit3A_429 : f32 to vector<32x1xf32>
    %select_n3A_431 = arith.select %ge3A_425, %concatenate3A_428, %broadcast_in_dim3A_430 : vector<32x1xi1>, vector<32x1xf32>
    %max3A_432 = arith.maximumf %max3A_422, %select_n3A_431 : vector<32x1xf32>
    %ge3A_433 = arith.constant 16 : i32
    %ge3A_434 = vector.broadcast %ge3A_433 : i32 to vector<32x1xi32>
    %ge3A_435 = arith.cmpi sge, %iota3A_9, %ge3A_434 : vector<32x1xi32>
    %slice3A_436 = vector.extract_strided_slice %max3A_432 {offsets = [16, 0], sizes = [16, 1], strides = [1, 1]} : vector<32x1xf32> to vector<16x1xf32>
    %slice3A_437 = vector.extract_strided_slice %max3A_432 {offsets = [0, 0], sizes = [16, 1], strides = [1, 1]} : vector<32x1xf32> to vector<16x1xf32>
    %concatenate3A_438 = tpu.concatenate %slice3A_436, %slice3A_437 in 0 : vector<16x1xf32>, vector<16x1xf32> -> vector<32x1xf32>
    %jit3A_439 = arith.constant 0.000000e+00 : f32
    %broadcast_in_dim3A_440 = vector.broadcast %jit3A_439 : f32 to vector<32x1xf32>
    %select_n3A_441 = arith.select %ge3A_435, %concatenate3A_438, %broadcast_in_dim3A_440 : vector<32x1xi1>, vector<32x1xf32>
    %max3A_442 = arith.maximumf %max3A_432, %select_n3A_441 : vector<32x1xf32>
    %max3A_443 = vector.broadcast %max3A_442 : vector<32x1xf32> to vector<32x128xf32>
    %max3A_444 = arith.maximumf %max3A_382, %max3A_443 : vector<32x128xf32>
    %ge3A_445 = arith.constant 1 : i32
    %ge3A_446 = vector.broadcast %ge3A_445 : i32 to vector<32x128xi32>
    %ge3A_447 = arith.cmpi sge, %iota3A, %ge3A_446 : vector<32x128xi32>
    %slice3A_448 = vector.extract_strided_slice %max3A_444 {offsets = [0, 127], sizes = [32, 1], strides = [1, 1]} : vector<32x128xf32> to vector<32x1xf32>
    %slice3A_449 = vector.extract_strided_slice %max3A_444 {offsets = [0, 0], sizes = [32, 127], strides = [1, 1]} : vector<32x128xf32> to vector<32x127xf32>
    %concatenate3A_450 = tpu.concatenate %slice3A_448, %slice3A_449 in 1 : vector<32x1xf32>, vector<32x127xf32> -> vector<32x128xf32>
    %broadcast_in_dim3A_451 = vector.shape_cast %max3A_442 : vector<32x1xf32> to vector<32x1xf32>
    %broadcast_in_dim3A_452 = vector.broadcast %broadcast_in_dim3A_451 : vector<32x1xf32> to vector<32x128xf32>
    %select_n3A_453 = arith.select %ge3A_447, %concatenate3A_450, %broadcast_in_dim3A_452 : vector<32x128xi1>, vector<32x128xf32>
    %eq3A_454 = arith.constant 0 : i32
    %eq3A_455 = vector.broadcast %eq3A_454 : i32 to vector<32x128xi32>
    %eq3A_456 = arith.cmpi eq, %and3A_6, %eq3A_455 : vector<32x128xi32>
    %eq3A_457 = arith.constant 1 : i32
    %eq3A_458 = vector.broadcast %eq3A_457 : i32 to vector<32x128xi32>
    %eq3A_459 = arith.cmpi eq, %and3A_6, %eq3A_458 : vector<32x128xi32>
    %select_n3A_460 = arith.select %eq3A_459, %select_n3A_302, %select_n3A_453 : vector<32x128xi1>, vector<32x128xf32>
    %select_n3A_461 = arith.select %eq3A_456, %select_n3A_151, %select_n3A_460 : vector<32x128xi1>, vector<32x128xf32>
    %eq3A_462 = arith.constant 0 : i32
    %eq3A_463 = vector.broadcast %eq3A_462 : i32 to vector<32x128xi32>
    %eq3A_464 = arith.cmpi eq, %shift_right_logical3A_8, %eq3A_463 : vector<32x128xi32>
    %eq3A_465 = arith.constant 1 : i32
    %eq3A_466 = vector.broadcast %eq3A_465 : i32 to vector<32x128xi32>
    %eq3A_467 = arith.cmpi eq, %shift_right_logical3A_8, %eq3A_466 : vector<32x128xi32>
    %select_n3A_468 = arith.select %eq3A_467, %select_n3A_302, %select_n3A_453 : vector<32x128xi1>, vector<32x128xf32>
    %select_n3A_469 = arith.select %eq3A_464, %select_n3A_151, %select_n3A_468 : vector<32x128xi1>, vector<32x128xf32>
    %sub3A = arith.subf %get3A_1, %select_n3A_461 : vector<32x128xf32>
    %swap3A = arith.constant 0 : index
    %swap3A_470 = arith.constant 0 : index
    %swap3A_471 = vector.load %arg2[%swap3A, %swap3A_470] : memref<32x128xf32, #tpu.memory_space<vmem>>, vector<32x128xf32>
    tpu.vector_store %arg2[%swap3A, %swap3A_470], %sub3A {strides = array<i32>} : memref<32x128xf32, #tpu.memory_space<vmem>>, vector<32x128xf32>,
    %sub3A_472 = arith.subf %get3A_1, %select_n3A_469 : vector<32x128xf32>
    %swap3A_473 = arith.constant 0 : index
    %swap3A_474 = arith.constant 0 : index
    %swap3A_475 = vector.load %arg3[%swap3A_473, %swap3A_474] : memref<32x128xf32, #tpu.memory_space<vmem>>, vector<32x128xf32>
    tpu.vector_store %arg3[%swap3A_473, %swap3A_474], %sub3A_472 {strides = array<i32>} : memref<32x128xf32, #tpu.memory_space<vmem>>, vector<32x128xf32>,
    return
  }
}

module attributes {stable_mosaic.version = 14 : i64} {
  func.func @_const_body(%arg0: memref<4096x1xf32, #tpu.memory_space<vmem>>, %arg1: memref<4096x1xf32, #tpu.memory_space<vmem>>, %arg2: memref<4096x2xf32, #tpu.memory_space<vmem>>, %arg3: memref<1x4xf32, #tpu.memory_space<vmem>>, %arg4: memref<1x4xf32, #tpu.memory_space<vmem>>, %arg5: memref<10x32xf32, #tpu.memory_space<vmem>>, %arg6: memref<1x32xf32, #tpu.memory_space<vmem>>, %arg7: memref<4096x32xf32, #tpu.memory_space<vmem>>) attributes {dimension_semantics = [], scalar_prefetch = 0 : i64, scratch_operands = 0 : i64, tpu.core_type = #tpu.core_type<tc>} {
    %get3A = arith.constant 0 : index
    %get3A_0 = arith.constant 0 : index
    %get3A_1 = vector.load %arg0[%get3A, %get3A_0] : memref<4096x1xf32, #tpu.memory_space<vmem>>, vector<4096x1xf32>
    %get3A_2 = arith.constant 0 : index
    %get3A_3 = arith.constant 0 : index
    %get3A_4 = vector.load %arg1[%get3A_2, %get3A_3] : memref<4096x1xf32, #tpu.memory_space<vmem>>, vector<4096x1xf32>
    %get3A_5 = arith.constant 0 : index
    %get3A_6 = arith.constant 0 : index
    %get3A_7 = vector.load %arg2[%get3A_5, %get3A_6] : memref<4096x2xf32, #tpu.memory_space<vmem>>, vector<4096x2xf32>
    %get3A_8 = arith.constant 0 : index
    %get3A_9 = arith.constant 0 : index
    %get3A_10 = vector.load %arg3[%get3A_8, %get3A_9] : memref<1x4xf32, #tpu.memory_space<vmem>>, vector<1x4xf32>
    %get3A_11 = arith.constant 0 : index
    %get3A_12 = arith.constant 0 : index
    %get3A_13 = vector.load %arg4[%get3A_11, %get3A_12] : memref<1x4xf32, #tpu.memory_space<vmem>>, vector<1x4xf32>
    %mul3A = vector.broadcast %get3A_1 : vector<4096x1xf32> to vector<4096x4xf32>
    %mul3A_14 = vector.broadcast %get3A_10 : vector<1x4xf32> to vector<4096x4xf32>
    %mul3A_15 = arith.mulf %mul3A, %mul3A_14 : vector<4096x4xf32>
    %add3A = vector.broadcast %get3A_13 : vector<1x4xf32> to vector<4096x4xf32>
    %add3A_16 = arith.addf %mul3A_15, %add3A : vector<4096x4xf32>
    %cos3A = math.cos %add3A_16 : vector<4096x4xf32>
    %mul3A_17 = vector.broadcast %get3A_4 : vector<4096x1xf32> to vector<4096x4xf32>
    %mul3A_18 = vector.broadcast %get3A_10 : vector<1x4xf32> to vector<4096x4xf32>
    %mul3A_19 = arith.mulf %mul3A_17, %mul3A_18 : vector<4096x4xf32>
    %add3A_20 = vector.broadcast %get3A_13 : vector<1x4xf32> to vector<4096x4xf32>
    %add3A_21 = arith.addf %mul3A_19, %add3A_20 : vector<4096x4xf32>
    %cos3A_22 = math.cos %add3A_21 : vector<4096x4xf32>
    %get3A_23 = arith.constant 0 : index
    %get3A_24 = arith.constant 0 : index
    %get3A_25 = vector.load %arg6[%get3A_23, %get3A_24] : memref<1x32xf32, #tpu.memory_space<vmem>>, vector<1x32xf32>
    %broadcast_in_dim3A = vector.shape_cast %get3A_25 : vector<1x32xf32> to vector<1x32xf32>
    %broadcast_in_dim3A_26 = vector.broadcast %broadcast_in_dim3A : vector<1x32xf32> to vector<4096x32xf32>
    %slice3A = vector.extract_strided_slice %get3A_7 {offsets = [0, 0], sizes = [4096, 1], strides = [1, 1]} : vector<4096x2xf32> to vector<4096x1xf32>
    %get3A_27 = arith.constant 0 : index
    %get3A_28 = arith.constant 0 : index
    %get3A_29 = vector.load %arg5[%get3A_27, %get3A_28] : memref<10x32xf32, #tpu.memory_space<vmem>>, vector<1x32xf32>
    %mul3A_30 = vector.broadcast %slice3A : vector<4096x1xf32> to vector<4096x32xf32>
    %mul3A_31 = vector.broadcast %get3A_29 : vector<1x32xf32> to vector<4096x32xf32>
    %mul3A_32 = arith.mulf %mul3A_30, %mul3A_31 : vector<4096x32xf32>
    %add3A_33 = arith.addf %broadcast_in_dim3A_26, %mul3A_32 : vector<4096x32xf32>
    %slice3A_34 = vector.extract_strided_slice %get3A_7 {offsets = [0, 1], sizes = [4096, 1], strides = [1, 1]} : vector<4096x2xf32> to vector<4096x1xf32>
    %get3A_35 = arith.constant 1 : index
    %get3A_36 = arith.constant 0 : index
    %get3A_37 = vector.load %arg5[%get3A_35, %get3A_36] : memref<10x32xf32, #tpu.memory_space<vmem>>, vector<1x32xf32>
    %mul3A_38 = vector.broadcast %slice3A_34 : vector<4096x1xf32> to vector<4096x32xf32>
    %mul3A_39 = vector.broadcast %get3A_37 : vector<1x32xf32> to vector<4096x32xf32>
    %mul3A_40 = arith.mulf %mul3A_38, %mul3A_39 : vector<4096x32xf32>
    %add3A_41 = arith.addf %add3A_33, %mul3A_40 : vector<4096x32xf32>
    %slice3A_42 = vector.extract_strided_slice %cos3A {offsets = [0, 0], sizes = [4096, 1], strides = [1, 1]} : vector<4096x4xf32> to vector<4096x1xf32>
    %get3A_43 = arith.constant 2 : index
    %get3A_44 = arith.constant 0 : index
    %get3A_45 = vector.load %arg5[%get3A_43, %get3A_44] : memref<10x32xf32, #tpu.memory_space<vmem>>, vector<1x32xf32>
    %mul3A_46 = vector.broadcast %slice3A_42 : vector<4096x1xf32> to vector<4096x32xf32>
    %mul3A_47 = vector.broadcast %get3A_45 : vector<1x32xf32> to vector<4096x32xf32>
    %mul3A_48 = arith.mulf %mul3A_46, %mul3A_47 : vector<4096x32xf32>
    %add3A_49 = arith.addf %add3A_41, %mul3A_48 : vector<4096x32xf32>
    %slice3A_50 = vector.extract_strided_slice %cos3A {offsets = [0, 1], sizes = [4096, 1], strides = [1, 1]} : vector<4096x4xf32> to vector<4096x1xf32>
    %get3A_51 = arith.constant 3 : index
    %get3A_52 = arith.constant 0 : index
    %get3A_53 = vector.load %arg5[%get3A_51, %get3A_52] : memref<10x32xf32, #tpu.memory_space<vmem>>, vector<1x32xf32>
    %mul3A_54 = vector.broadcast %slice3A_50 : vector<4096x1xf32> to vector<4096x32xf32>
    %mul3A_55 = vector.broadcast %get3A_53 : vector<1x32xf32> to vector<4096x32xf32>
    %mul3A_56 = arith.mulf %mul3A_54, %mul3A_55 : vector<4096x32xf32>
    %add3A_57 = arith.addf %add3A_49, %mul3A_56 : vector<4096x32xf32>
    %slice3A_58 = vector.extract_strided_slice %cos3A {offsets = [0, 2], sizes = [4096, 1], strides = [1, 1]} : vector<4096x4xf32> to vector<4096x1xf32>
    %get3A_59 = arith.constant 4 : index
    %get3A_60 = arith.constant 0 : index
    %get3A_61 = vector.load %arg5[%get3A_59, %get3A_60] : memref<10x32xf32, #tpu.memory_space<vmem>>, vector<1x32xf32>
    %mul3A_62 = vector.broadcast %slice3A_58 : vector<4096x1xf32> to vector<4096x32xf32>
    %mul3A_63 = vector.broadcast %get3A_61 : vector<1x32xf32> to vector<4096x32xf32>
    %mul3A_64 = arith.mulf %mul3A_62, %mul3A_63 : vector<4096x32xf32>
    %add3A_65 = arith.addf %add3A_57, %mul3A_64 : vector<4096x32xf32>
    %slice3A_66 = vector.extract_strided_slice %cos3A {offsets = [0, 3], sizes = [4096, 1], strides = [1, 1]} : vector<4096x4xf32> to vector<4096x1xf32>
    %get3A_67 = arith.constant 5 : index
    %get3A_68 = arith.constant 0 : index
    %get3A_69 = vector.load %arg5[%get3A_67, %get3A_68] : memref<10x32xf32, #tpu.memory_space<vmem>>, vector<1x32xf32>
    %mul3A_70 = vector.broadcast %slice3A_66 : vector<4096x1xf32> to vector<4096x32xf32>
    %mul3A_71 = vector.broadcast %get3A_69 : vector<1x32xf32> to vector<4096x32xf32>
    %mul3A_72 = arith.mulf %mul3A_70, %mul3A_71 : vector<4096x32xf32>
    %add3A_73 = arith.addf %add3A_65, %mul3A_72 : vector<4096x32xf32>
    %slice3A_74 = vector.extract_strided_slice %cos3A_22 {offsets = [0, 0], sizes = [4096, 1], strides = [1, 1]} : vector<4096x4xf32> to vector<4096x1xf32>
    %get3A_75 = arith.constant 6 : index
    %get3A_76 = arith.constant 0 : index
    %get3A_77 = vector.load %arg5[%get3A_75, %get3A_76] : memref<10x32xf32, #tpu.memory_space<vmem>>, vector<1x32xf32>
    %mul3A_78 = vector.broadcast %slice3A_74 : vector<4096x1xf32> to vector<4096x32xf32>
    %mul3A_79 = vector.broadcast %get3A_77 : vector<1x32xf32> to vector<4096x32xf32>
    %mul3A_80 = arith.mulf %mul3A_78, %mul3A_79 : vector<4096x32xf32>
    %add3A_81 = arith.addf %add3A_73, %mul3A_80 : vector<4096x32xf32>
    %slice3A_82 = vector.extract_strided_slice %cos3A_22 {offsets = [0, 1], sizes = [4096, 1], strides = [1, 1]} : vector<4096x4xf32> to vector<4096x1xf32>
    %get3A_83 = arith.constant 7 : index
    %get3A_84 = arith.constant 0 : index
    %get3A_85 = vector.load %arg5[%get3A_83, %get3A_84] : memref<10x32xf32, #tpu.memory_space<vmem>>, vector<1x32xf32>
    %mul3A_86 = vector.broadcast %slice3A_82 : vector<4096x1xf32> to vector<4096x32xf32>
    %mul3A_87 = vector.broadcast %get3A_85 : vector<1x32xf32> to vector<4096x32xf32>
    %mul3A_88 = arith.mulf %mul3A_86, %mul3A_87 : vector<4096x32xf32>
    %add3A_89 = arith.addf %add3A_81, %mul3A_88 : vector<4096x32xf32>
    %slice3A_90 = vector.extract_strided_slice %cos3A_22 {offsets = [0, 2], sizes = [4096, 1], strides = [1, 1]} : vector<4096x4xf32> to vector<4096x1xf32>
    %get3A_91 = arith.constant 8 : index
    %get3A_92 = arith.constant 0 : index
    %get3A_93 = vector.load %arg5[%get3A_91, %get3A_92] : memref<10x32xf32, #tpu.memory_space<vmem>>, vector<1x32xf32>
    %mul3A_94 = vector.broadcast %slice3A_90 : vector<4096x1xf32> to vector<4096x32xf32>
    %mul3A_95 = vector.broadcast %get3A_93 : vector<1x32xf32> to vector<4096x32xf32>
    %mul3A_96 = arith.mulf %mul3A_94, %mul3A_95 : vector<4096x32xf32>
    %add3A_97 = arith.addf %add3A_89, %mul3A_96 : vector<4096x32xf32>
    %slice3A_98 = vector.extract_strided_slice %cos3A_22 {offsets = [0, 3], sizes = [4096, 1], strides = [1, 1]} : vector<4096x4xf32> to vector<4096x1xf32>
    %get3A_99 = arith.constant 9 : index
    %get3A_100 = arith.constant 0 : index
    %get3A_101 = vector.load %arg5[%get3A_99, %get3A_100] : memref<10x32xf32, #tpu.memory_space<vmem>>, vector<1x32xf32>
    %mul3A_102 = vector.broadcast %slice3A_98 : vector<4096x1xf32> to vector<4096x32xf32>
    %mul3A_103 = vector.broadcast %get3A_101 : vector<1x32xf32> to vector<4096x32xf32>
    %mul3A_104 = arith.mulf %mul3A_102, %mul3A_103 : vector<4096x32xf32>
    %add3A_105 = arith.addf %add3A_97, %mul3A_104 : vector<4096x32xf32>
    %swap3A = arith.constant 0 : index
    %swap3A_106 = arith.constant 0 : index
    %swap3A_107 = vector.load %arg7[%swap3A, %swap3A_106] : memref<4096x32xf32, #tpu.memory_space<vmem>>, vector<4096x32xf32>
    tpu.vector_store %arg7[%swap3A, %swap3A_106], %add3A_105 {strides = array<i32>} : memref<4096x32xf32, #tpu.memory_space<vmem>>, vector<4096x32xf32>,
    return
  }
}

module attributes {stable_mosaic.version = 14 : i64} {
  func.func @_logit_body(%arg0: memref<4096x16xf32, #tpu.memory_space<vmem>>, %arg1: memref<4096x2xf32, #tpu.memory_space<vmem>>, %arg2: memref<8x2xf32, #tpu.memory_space<vmem>>, %arg3: memref<2x2xf32, #tpu.memory_space<vmem>>, %arg4: memref<1x2xf32, #tpu.memory_space<vmem>>, %arg5: memref<4096x2xf32, #tpu.memory_space<vmem>>) attributes {dimension_semantics = [], scalar_prefetch = 0 : i64, scratch_operands = 0 : i64, tpu.core_type = #tpu.core_type<tc>} {
    %get3A = arith.constant 0 : index
    %get3A_0 = arith.constant 0 : index
    %get3A_1 = vector.load %arg0[%get3A, %get3A_0] : memref<4096x16xf32, #tpu.memory_space<vmem>>, vector<4096x16xf32>
    %get3A_2 = arith.constant 0 : index
    %get3A_3 = arith.constant 0 : index
    %get3A_4 = vector.load %arg1[%get3A_2, %get3A_3] : memref<4096x2xf32, #tpu.memory_space<vmem>>, vector<4096x2xf32>
    %get3A_5 = arith.constant 0 : index
    %get3A_6 = arith.constant 0 : index
    %get3A_7 = vector.load %arg4[%get3A_5, %get3A_6] : memref<1x2xf32, #tpu.memory_space<vmem>>, vector<1x2xf32>
    %broadcast_in_dim3A = vector.shape_cast %get3A_7 : vector<1x2xf32> to vector<1x2xf32>
    %broadcast_in_dim3A_8 = vector.broadcast %broadcast_in_dim3A : vector<1x2xf32> to vector<4096x2xf32>
    %slice3A = vector.extract_strided_slice %get3A_1 {offsets = [0, 0], sizes = [4096, 1], strides = [1, 1]} : vector<4096x16xf32> to vector<4096x1xf32>
    %get3A_9 = arith.constant 0 : index
    %get3A_10 = arith.constant 0 : index
    %get3A_11 = vector.load %arg2[%get3A_9, %get3A_10] : memref<8x2xf32, #tpu.memory_space<vmem>>, vector<1x2xf32>
    %mul3A = vector.broadcast %slice3A : vector<4096x1xf32> to vector<4096x2xf32>
    %mul3A_12 = vector.broadcast %get3A_11 : vector<1x2xf32> to vector<4096x2xf32>
    %mul3A_13 = arith.mulf %mul3A, %mul3A_12 : vector<4096x2xf32>
    %add3A = arith.addf %broadcast_in_dim3A_8, %mul3A_13 : vector<4096x2xf32>
    %slice3A_14 = vector.extract_strided_slice %get3A_1 {offsets = [0, 1], sizes = [4096, 1], strides = [1, 1]} : vector<4096x16xf32> to vector<4096x1xf32>
    %get3A_15 = arith.constant 1 : index
    %get3A_16 = arith.constant 0 : index
    %get3A_17 = vector.load %arg2[%get3A_15, %get3A_16] : memref<8x2xf32, #tpu.memory_space<vmem>>, vector<1x2xf32>
    %mul3A_18 = vector.broadcast %slice3A_14 : vector<4096x1xf32> to vector<4096x2xf32>
    %mul3A_19 = vector.broadcast %get3A_17 : vector<1x2xf32> to vector<4096x2xf32>
    %mul3A_20 = arith.mulf %mul3A_18, %mul3A_19 : vector<4096x2xf32>
    %add3A_21 = arith.addf %add3A, %mul3A_20 : vector<4096x2xf32>
    %slice3A_22 = vector.extract_strided_slice %get3A_1 {offsets = [0, 2], sizes = [4096, 1], strides = [1, 1]} : vector<4096x16xf32> to vector<4096x1xf32>
    %get3A_23 = arith.constant 2 : index
    %get3A_24 = arith.constant 0 : index
    %get3A_25 = vector.load %arg2[%get3A_23, %get3A_24] : memref<8x2xf32, #tpu.memory_space<vmem>>, vector<1x2xf32>
    %mul3A_26 = vector.broadcast %slice3A_22 : vector<4096x1xf32> to vector<4096x2xf32>
    %mul3A_27 = vector.broadcast %get3A_25 : vector<1x2xf32> to vector<4096x2xf32>
    %mul3A_28 = arith.mulf %mul3A_26, %mul3A_27 : vector<4096x2xf32>
    %add3A_29 = arith.addf %add3A_21, %mul3A_28 : vector<4096x2xf32>
    %slice3A_30 = vector.extract_strided_slice %get3A_1 {offsets = [0, 3], sizes = [4096, 1], strides = [1, 1]} : vector<4096x16xf32> to vector<4096x1xf32>
    %get3A_31 = arith.constant 3 : index
    %get3A_32 = arith.constant 0 : index
    %get3A_33 = vector.load %arg2[%get3A_31, %get3A_32] : memref<8x2xf32, #tpu.memory_space<vmem>>, vector<1x2xf32>
    %mul3A_34 = vector.broadcast %slice3A_30 : vector<4096x1xf32> to vector<4096x2xf32>
    %mul3A_35 = vector.broadcast %get3A_33 : vector<1x2xf32> to vector<4096x2xf32>
    %mul3A_36 = arith.mulf %mul3A_34, %mul3A_35 : vector<4096x2xf32>
    %add3A_37 = arith.addf %add3A_29, %mul3A_36 : vector<4096x2xf32>
    %slice3A_38 = vector.extract_strided_slice %get3A_1 {offsets = [0, 4], sizes = [4096, 1], strides = [1, 1]} : vector<4096x16xf32> to vector<4096x1xf32>
    %get3A_39 = arith.constant 4 : index
    %get3A_40 = arith.constant 0 : index
    %get3A_41 = vector.load %arg2[%get3A_39, %get3A_40] : memref<8x2xf32, #tpu.memory_space<vmem>>, vector<1x2xf32>
    %mul3A_42 = vector.broadcast %slice3A_38 : vector<4096x1xf32> to vector<4096x2xf32>
    %mul3A_43 = vector.broadcast %get3A_41 : vector<1x2xf32> to vector<4096x2xf32>
    %mul3A_44 = arith.mulf %mul3A_42, %mul3A_43 : vector<4096x2xf32>
    %add3A_45 = arith.addf %add3A_37, %mul3A_44 : vector<4096x2xf32>
    %slice3A_46 = vector.extract_strided_slice %get3A_1 {offsets = [0, 5], sizes = [4096, 1], strides = [1, 1]} : vector<4096x16xf32> to vector<4096x1xf32>
    %get3A_47 = arith.constant 5 : index
    %get3A_48 = arith.constant 0 : index
    %get3A_49 = vector.load %arg2[%get3A_47, %get3A_48] : memref<8x2xf32, #tpu.memory_space<vmem>>, vector<1x2xf32>
    %mul3A_50 = vector.broadcast %slice3A_46 : vector<4096x1xf32> to vector<4096x2xf32>
    %mul3A_51 = vector.broadcast %get3A_49 : vector<1x2xf32> to vector<4096x2xf32>
    %mul3A_52 = arith.mulf %mul3A_50, %mul3A_51 : vector<4096x2xf32>
    %add3A_53 = arith.addf %add3A_45, %mul3A_52 : vector<4096x2xf32>
    %slice3A_54 = vector.extract_strided_slice %get3A_1 {offsets = [0, 6], sizes = [4096, 1], strides = [1, 1]} : vector<4096x16xf32> to vector<4096x1xf32>
    %get3A_55 = arith.constant 6 : index
    %get3A_56 = arith.constant 0 : index
    %get3A_57 = vector.load %arg2[%get3A_55, %get3A_56] : memref<8x2xf32, #tpu.memory_space<vmem>>, vector<1x2xf32>
    %mul3A_58 = vector.broadcast %slice3A_54 : vector<4096x1xf32> to vector<4096x2xf32>
    %mul3A_59 = vector.broadcast %get3A_57 : vector<1x2xf32> to vector<4096x2xf32>
    %mul3A_60 = arith.mulf %mul3A_58, %mul3A_59 : vector<4096x2xf32>
    %add3A_61 = arith.addf %add3A_53, %mul3A_60 : vector<4096x2xf32>
    %slice3A_62 = vector.extract_strided_slice %get3A_1 {offsets = [0, 7], sizes = [4096, 1], strides = [1, 1]} : vector<4096x16xf32> to vector<4096x1xf32>
    %get3A_63 = arith.constant 7 : index
    %get3A_64 = arith.constant 0 : index
    %get3A_65 = vector.load %arg2[%get3A_63, %get3A_64] : memref<8x2xf32, #tpu.memory_space<vmem>>, vector<1x2xf32>
    %mul3A_66 = vector.broadcast %slice3A_62 : vector<4096x1xf32> to vector<4096x2xf32>
    %mul3A_67 = vector.broadcast %get3A_65 : vector<1x2xf32> to vector<4096x2xf32>
    %mul3A_68 = arith.mulf %mul3A_66, %mul3A_67 : vector<4096x2xf32>
    %add3A_69 = arith.addf %add3A_61, %mul3A_68 : vector<4096x2xf32>
    %slice3A_70 = vector.extract_strided_slice %get3A_4 {offsets = [0, 0], sizes = [4096, 1], strides = [1, 1]} : vector<4096x2xf32> to vector<4096x1xf32>
    %get3A_71 = arith.constant 0 : index
    %get3A_72 = arith.constant 0 : index
    %get3A_73 = vector.load %arg3[%get3A_71, %get3A_72] : memref<2x2xf32, #tpu.memory_space<vmem>>, vector<1x2xf32>
    %mul3A_74 = vector.broadcast %slice3A_70 : vector<4096x1xf32> to vector<4096x2xf32>
    %mul3A_75 = vector.broadcast %get3A_73 : vector<1x2xf32> to vector<4096x2xf32>
    %mul3A_76 = arith.mulf %mul3A_74, %mul3A_75 : vector<4096x2xf32>
    %add3A_77 = arith.addf %add3A_69, %mul3A_76 : vector<4096x2xf32>
    %slice3A_78 = vector.extract_strided_slice %get3A_4 {offsets = [0, 1], sizes = [4096, 1], strides = [1, 1]} : vector<4096x2xf32> to vector<4096x1xf32>
    %get3A_79 = arith.constant 1 : index
    %get3A_80 = arith.constant 0 : index
    %get3A_81 = vector.load %arg3[%get3A_79, %get3A_80] : memref<2x2xf32, #tpu.memory_space<vmem>>, vector<1x2xf32>
    %mul3A_82 = vector.broadcast %slice3A_78 : vector<4096x1xf32> to vector<4096x2xf32>
    %mul3A_83 = vector.broadcast %get3A_81 : vector<1x2xf32> to vector<4096x2xf32>
    %mul3A_84 = arith.mulf %mul3A_82, %mul3A_83 : vector<4096x2xf32>
    %add3A_85 = arith.addf %add3A_77, %mul3A_84 : vector<4096x2xf32>
    %swap3A = arith.constant 0 : index
    %swap3A_86 = arith.constant 0 : index
    %swap3A_87 = vector.load %arg5[%swap3A, %swap3A_86] : memref<4096x2xf32, #tpu.memory_space<vmem>>, vector<4096x2xf32>
    tpu.vector_store %arg5[%swap3A, %swap3A_86], %add3A_85 {strides = array<i32>} : memref<4096x2xf32, #tpu.memory_space<vmem>>, vector<4096x2xf32>,
    return
  }
}

</mosaic_0001>

<sc_bundles>
// kernel: gather_offload_async_start
scs
__scs_entry_jumppad:
0x0: {  	(pc) =	sbr.rel $0x88, $3  }
0x1: {  	(tag) =	ssettag $0x0;
	lr =	simm.s32 $0x1  }
0x2: {  	[smem:$0x3F95] =	sst lr;
	_ =	strace $0xD0000000  }
0x3: {  	_ = 	snop  }
0x4: {  	_ = 	snop  }
0x5: {  	_ = 	snop  }
0x6: {  	_ = 	snop  }
0x7: {  	_ = 	snop  }
__scs_overlays_trampoline_lowered:
0x8: {  	[smem:$0x3FA4] =	sst s0  }
0x9: {  	[smem:$0x3FA5] =	sst s1  }
0xa: {  	[smem:$0x3FA6] =	sst s2  }
0xb: {  	[smem:$0x3FA7] =	sst s3  }
0xc: {  	[smem:$0x3FA8] =	sst s4  }
0xd: {  	[smem:$0x3FA9] =	sst s5  }
0xe: {  	[smem:$0x3FAA] =	sst s6  }
0xf: {  	[smem:$0x3FAB] =	sst s7  }
0x10: {  	[smem:$0x3FAC] =	sst s8  }
0x11: {  	[smem:$0x3FAD] =	sst s9;
	s0 =	simm.s32 @!p0 $0x0  }
0x12: {  	s1 =	sld [smem:$0x3F93];
	s0 =	simm.s32 @p0 $0x1  }
0x13: {  	[smem:$0x3FAE] =	sst s0;
	s0 =	simm.s32 @!p1 $0x0  }
0x14: {  	s2 =	sld [smem:$0x3F92];
	s0 =	simm.s32 @p1 $0x1  }
0x15: {  	[smem:$0x3FAF] =	sst s0;
	s0 =	simm.s32 @!p2 $0x0  }
0x16: {  	s3 =	sld [smem:$0x3FDB];
	s0 =	simm.s32 @p2 $0x1  }
0x17: {  	s4 =	simm.s32 $0x1BF5;
	[smem:$0x3FB1] =	sst s0  }
0x18: {  	s0 =	sld [smem:$0x3F94];
	_ =	swait.ge [sflag:s4], $0x0  }
0x19: {  	s7 =	sld [smem:$0x3F95]  }
0x1a: {  	s8 =	sadd.s32 $0xFFFFE003, lr  }
0x1b: {  	s9 =	sadd.s32 $0xFFFFFEF7, lr;
	s5 =	simm.s32 $0xFFFFFFFF;
	p2 =	slt.u32 s8, $0xFFFFF086  }
0x1c: {  	p1 =	slt.u32 s9, $0xF7A;
	s5 =	simm.s32 @!p2 $0x0  }
0x1d: {  	s5 =	simm.s32 @p1 $0x1;
	p0 =	seq.s32 s7, s2  }
0x1e: {  	s7 =	smul.u32 @!p0 $0xF7A, s2;
	p2 =	seq.s32 @!p0 s5, $0x0  }
0x1f: {  	s9 =	smul.u32 $0xF7A, s1;
	s8 =	simm.s32 @!p0 $0x1BF5;
	p2 =	por !p2, p0  }
0x20: {  	[sflag:s8] =	ssyncset.s32 @!p0 $0xFFFFF086;
	s6 =	sadd.s32 @!p0 s3, s7;
	s7 =	simm.s32 @!p0 $0x108  }
0x21: {  	s3 =	sadd.s32 s3, s9;
	s6 =	sadd.s32 @!p0 $0x88, s6;
	s7 =	simm.s32 @p2 $0x1082  }
0x22: {  	[simem:s7], [sflag:s8] =	dma.local @!p0 [hbm:s6], $0xF7A  }
0x23: {  	s9 =	sor.u32 $0xD0000000, s2;
	s6 =	simm.s32 $0x108;
	_ =	swait.ge @!p0 [sflag:s8], $0x0  }
0x24: {  	s3 =	sadd.s32 $0x88, s3;
	s6 =	simm.s32 @!p1 $0x1082;
	[sflag:s4] =	ssyncset.s32 $0xFFFFF086  }
0x25: {  	[simem:s6], [sflag:s4] =	dma.local [hbm:s3], $0xF7A  }
0x26: {  	[smem:$0x3F95] =	sst s1;
	(tag) =	ssettag s2;
	_ =	strace s9  }
0x27: {  	s1 =	sld [smem:$0x3FA5]  }
0x28: {  	s2 =	sld [smem:$0x3FA6]  }
0x29: {  	s4 =	sld [smem:$0x3FA8]  }
0x2a: {  	p0 =	seq.s32 s5, $0x0;
	s5 =	sld [smem:$0x3FA9]  }
0x2b: {  	s6 =	sld [smem:$0x3FAA]  }
0x2c: {  	s7 =	sld [smem:$0x3FAB]  }
0x2d: {  	s3 =	simm.s32 $0x108;
	s8 =	sld [smem:$0x3FAC]  }
0x2e: {  	s3 =	simm.s32 @!p0 $0x1082;
	s9 =	sld [smem:$0x3FAD]  }
0x2f: {  	lr =	sadd.s32 s0, s3;
	s0 =	sld [smem:$0x3FA4]  }
0x30: {  	s3 =	sld [smem:$0x3FA7]  }
0x31: {  	[smem:$0x3FB0] =	sst s10  }
0x32: {  	s10 =	sld [smem:$0x3FAE];
	_ =	sdelay $0x3  }
0x33: {  	p0 =	seq.s32 s10, $0x1;
	s10 =	sld [smem:$0x3FB0];
	_ =	sdelay $0x3  }
0x34: {  	[smem:$0x3FB0] =	sst s10  }
0x35: {  	s10 =	sld [smem:$0x3FAF];
	_ =	sdelay $0x3  }
0x36: {  	p1 =	seq.s32 s10, $0x1;
	s10 =	sld [smem:$0x3FB0];
	_ =	sdelay $0x3  }
0x37: {  	[smem:$0x3FB0] =	sst s10  }
0x38: {  	s10 =	sld [smem:$0x3FB1]  }
0x39: {  	_ = 	snop;
	(pc) =	sbr.ind lr, $3  }
0x3a: {  	_ = 	snop  }
0x3b: {  	_ = 	snop  }
0x3c: {  	p2 =	seq.s32 s10, $0x1;
	s10 =	sld [smem:$0x3FB0]  }
0x3d: {  	_ =	shalt  }
0x3e: {  	_ =	shalt  }
0x3f: {  	_ =	shalt  }
0x40: {  	_ =	shalt  }
0x41: {  	_ =	shalt  }
0x42: {  	_ =	shalt  }
0x43: {  	_ =	shalt  }
0x44: {  	_ =	shalt  }
0x45: {  	_ =	shalt  }
0x46: {  	_ =	shalt  }
0x47: {  	_ =	shalt  }
0x48: {  	_ =	shalt  }
0x49: {  	_ =	shalt  }
0x4a: {  	_ =	shalt  }
0x4b: {  	_ =	shalt  }
0x4c: {  	_ =	shalt  }
0x4d: {  	_ =	shalt  }
0x4e: {  	_ =	shalt  }
0x4f: {  	_ =	shalt  }
0x50: {  	_ =	shalt  }
0x51: {  	_ =	shalt  }
0x52: {  	_ =	shalt  }
0x53: {  	_ =	shalt  }
0x54: {  	_ =	shalt  }
0x55: {  	_ =	shalt  }
0x56: {  	_ =	shalt  }
0x57: {  	_ =	shalt  }
0x58: {  	_ =	shalt  }
0x59: {  	_ =	shalt  }
0x5a: {  	_ =	shalt  }
0x5b: {  	_ =	shalt  }
0x5c: {  	_ =	shalt  }
0x5d: {  	_ =	shalt  }
0x5e: {  	_ =	shalt  }
0x5f: {  	_ =	shalt  }
0x60: {  	_ =	shalt  }
0x61: {  	_ =	shalt  }
0x62: {  	_ =	shalt  }
0x63: {  	_ =	shalt  }
0x64: {  	_ =	shalt  }
0x65: {  	_ =	shalt  }
0x66: {  	_ =	shalt  }
0x67: {  	_ =	shalt  }
0x68: {  	_ =	shalt  }
0x69: {  	_ =	shalt  }
0x6a: {  	_ =	shalt  }
0x6b: {  	_ =	shalt  }
0x6c: {  	_ =	shalt  }
0x6d: {  	_ =	shalt  }
0x6e: {  	_ =	shalt  }
0x6f: {  	_ =	shalt  }
0x70: {  	_ =	shalt  }
0x71: {  	_ =	shalt  }
0x72: {  	_ =	shalt  }
0x73: {  	_ =	shalt  }
0x74: {  	_ =	shalt  }
0x75: {  	_ =	shalt  }
0x76: {  	_ =	shalt  }
0x77: {  	_ =	shalt  }
0x78: {  	_ =	shalt  }
0x79: {  	_ =	shalt  }
0x7a: {  	_ =	shalt  }
0x7b: {  	_ =	shalt  }
0x7c: {  	_ =	shalt  }
0x7d: {  	_ =	shalt  }
0x7e: {  	_ =	shalt  }
0x7f: {  	_ =	shalt  }
0x80: {  	_ =	shalt  }
0x81: {  	_ =	shalt  }
0x82: {  	_ =	shalt  }
0x83: {  	_ =	shalt  }
0x84: {  	_ =	shalt  }
0x85: {  	_ =	shalt  }
0x86: {  	_ =	shalt  }
0x87: {  	_ =	shalt  }
.Lfunc_end0:
.L_simem_size_0:
called_computation_lowered:
.L_overlay_start_0:
0x88: {  	s2 =	sld [smem:$0x3FD9]  }
0x89: {  	s3 =	sld [smem:$0x3FFE];
	_ =	sdelay $0x1  }
0x8a: {  	s1 =	srdreg.scid  }
0x8b: {  	s0 =	sand.u32 $0x1, s1  }
0x8c: {  	s17 =	sshll.u32 s0, $0xA;
	s2 =	sadd.s32 s3, s2  }
0x8d: {  	s2 =	sadd.s32 s2, s17  }
0x8e: {  	[smem:$0x3FBC] =	sst s2  }
0x8f: {  	_ = 	snop  }
0x90: {  	s2 =	sld [smem:$0x3FD0];
	(tm) =	ssettm $0x1  }
0x91: {  	s18 =	sld [smem:$0x3FFB];
	_ =	sdelay $0x3  }
0x92: {  	_ =	strace s18  }
0x93: {  	s3 =	sld [smem:$0x3FFC];
	_ =	sdelay $0x3  }
0x94: {  	_ =	strace s3  }
0x95: {  	s3 =	sld [smem:$0x3FFD];
	_ =	sdelay $0x3  }
0x96: {  	_ =	strace s3  }
0x97: {  	_ =	strace $0x8FFFFFFF  }
0x98: {  	s19 =	sld [smem:$0x3FDB];
	_ =	sdelay $0x1  }
0x99: {  	s4 =	simm.s32 $_scs_section_size  }
0x9a: {  	s5 =	simm.s32 $_size__tile_overlayer_lowered;
	s6 =	simm.s32 $_tile_overlayer_lowered  }
0x9b: {  	s22 =	simm.s32 $0x1BFF;
	s21 =	sshll.u32 s6, $0x1;
	s3 =	sadd.s32 s4, s19  }
0x9c: {  	s7 =	simm.s32 $0x0;
	s20 =	sshll.u32 s5, $0x1;
	s5 =	sadd.s32 s21, s3  }
0x9d: {  	[timem:s7], [sflag:s22] =	dma.local [hbm:s5], s20  }
0x9e: {  	_ =	swait.ge [sflag:s22], s20  }
0x9f: {  	s4 =	ssub.s32 $0x0, s20;
	[sflag:s22] =	ssyncset.done $0x0  }
0xa0: {  	[sflag:s22] =	ssyncadd.s32 s4;
	_ =	sdelay $0x1  }
0xa1: {  	s23 =	simm.s32 $0x1B8B  }
0xa2: {  	_ =	swait.ge [sflag:s23], $0x1  }
0xa3: {  	[sflag:s23] =	ssyncset.done $0x0  }
0xa4: {  	s25 =	simm.s32 $0x1B8E;
	s24 =	sld [smem:$0x3FFE];
	[sflag:s23] =	ssyncadd.s32 $0xFFFFFFFF  }
0xa5: {  	s26 =	simm.s32 $execute0_lowered;
	[smem:$0x3FD2] =	sst s25  }
0xa6: {  	s5 =	sshll.u32 s26, $0x1;
	_ =	strace $0x80000046;
	[dreg:$0x1] =	wrdreg $0xFFFFFFFF  }
0xa7: {  	s28 =	simm.s32 $_size_execute0_lowered;
	s3 =	sadd.s32 s3, s5;
	[dreg:$0x0] =	wrdreg $0x0  }
0xa8: {  	s5 =	sshll.u32 s28, $0x1;
	[dreg:$0x2] =	wrdreg s3  }
0xa9: {  	[dreg:$0x3] =	wrdreg s5  }
0xaa: {  	[dreg:$0x4] =	wrdreg $0xC0  }
0xab: {  	_ =	task [dreg:s7], $0x5FFFF  }
0xac: {  	[dreg:$0x1] =	wrdreg $0xFFFFFFFF  }
0xad: {  	[dreg:$0x0] =	wrdreg $0x60  }
0xae: {  	[dreg:$0x2] =	wrdreg s24  }
0xaf: {  	[dreg:$0x3] =	wrdreg s2  }
0xb0: {  	[dreg:$0x4] =	wrdreg $0x9  }
0xb1: {  	_ =	task.clear_ibuf [dreg:s7], $0x5FFFF;
	_ =	strace $0x90000046  }
0xb2: {  	s29 =	simm.s32 $0x9;
	_ =	strace $0x80000048  }
0xb3: {  	_ =	swait.ge [sflag:s29], $0x1  }
0xb4: {  	[sflag:s29] =	ssyncadd.s32 $0xFFFFFFFF  }
0xb5: {  	_ =	strace $0x90000048  }
0xb6: {  	_ =	sfence  }
0xb7: {  	s30 =	sld [smem:$0x0];
	_ =	sdelay $0x2  }
0xb8: {  	s31 =	sshll.u32 s1, $0xD;
	s1 =	sshrl.u32 s1, $0x2  }
0xb9: {  	s3 =	sand.u32 $0x4000, s31;
	s1 =	sadd.s32 s1, s30  }
0xba: {  	s0 =	sor.u32 s3, s0;
	s1 =	sshll.u32 s1, $0x11  }
0xbb: {  	s0 =	sor.u32 s1, s0  }
0xbc: {  	s0 =	sadd.s32 $0x8F2B, s0  }
0xbd: {  	[sflag:s0] =	ssyncadd.remote.s32 $0x1  }
0xbe: {  	_ =	sfence.sel $0xFFFF  }
0xbf: {  	[dreg:$0x0] =	wrdreg $0xFFFFFFFF;
	(pc) =	sbr.abs _section_cstart, $3  }
0xc0: {  	[dreg:$0x1] =	wrdreg $0xFFFFFFFF  }
0xc1: {  	_ =	task.clear_ibuf [dreg:s7], $0x2FFFF;
	_ =	strace $0x9FFFFFFF  }
0xc2: {  	(tm) =	ssettm $0x7FFFFFFF  }
0xc3: {  	_ =	shalt  }
tec
execute0_lowered:
.L_overlay_start_1:
0x0: {  	(tag) =	ssettag $0x1  }
0x1: {  	s7 =	rddreg [dreg:$0x0]  }
0x2: {  	s2 =	rddreg [dreg:$0x1]  }
0x3: {  	s0 =	rddreg [dreg:$0x2]  }
0x4: {  	s1 =	srdreg.scid;
	_ =	strace $0x80000047;
	s4 =	simm.s32 $0x1  }
0x5: {  	s9 =	simm.s32 $0x3;
	s12 =	simm.s32 $0x0;
	s5 =	sshll.u32 s1, $0x4  }
.Ltmp0:
0x6: {  	s1 =	stileid.u32;
	s5 =	sand.u32 $0x10, s5;
	(pc) =	sbr.rel .LBB2_1-.Ltmp0, $4  }
0x7: {  	s10 =	simm.s32 $0x0;
	s3 =	sadd.s32 $0x200, s7;
	s6 =	sor.u32 s1, s5  }
0x8: {  	[sflag:s4] =	ssyncpa.u1 $0x0;
	s5 =	simm.s32 $0x2;
	s6 =	sshll.u32 s6, $0x7  }
0x9: {  	s7 =	sadd.s32 $0x10200, s7;
	[sflag:s5] =	ssyncpa.u1 $0x0;
	s8 =	sadd.s32 $0x80, s6  }
0xa: {  	vm0 =	vmmov $0xff;
	vm1 =	vcmask $0x3F20;
	[sflag:s9] =	ssyncpa.u1 $0x0;
	s9 =	simm.s32 $0x80;
	s11 =	smov.u32 s6  }
.LBB2_9:
0xb: {  	p0 =	seq.s32 s10, $0x2  }
.Ltmp1:
0xc: {  	_ = 	snop;
	(pc) =	sbr.rel @p0 .LBB2_11-.Ltmp1, $1  }
0xd: {  	_ =	sdelay $0x3  }
.LBB2_10:
0xe: {  	s12 =	sadd.s32 $0x80, s11  }
0xf: {  	s13 =	smov.u32 s6;
	p0 =	slt.s32 s12, s8  }
0x10: {  	s13 =	smov.u32 @p0 s12  }
0x11: {  	s10 =	sadd.s32 $0x1, s10;
	s12 =	smov.u32 s11;
	s11 =	smov.u32 s13  }
.LBB2_1:
0x12: {  	p0 =	sne.s32 s10, $0x0  }
.Ltmp2:
0x13: {  	_ = 	snop;
	(pc) =	sbr.rel @!p0 .LBB2_2-.Ltmp2, $1  }
0x14: {  	_ =	sdelay $0x3  }
0x15: {  	s13 =	sand.u32 $0x1, s10  }
0x16: {  	p0 =	seq.s32 s13, $0x0  }
.Ltmp3:
0x17: {  	_ = 	snop;
	(pc) =	sbr.rel @p0 .LBB2_9-.Ltmp3, $1  }
0x18: {  	_ =	sdelay $0x3  }
0x19: {  	_ =	swait.ge [sflag:s5], $0x80  }
0x1a: {  	[sflag:s5] =	ssyncset.done $0x0  }
0x1b: {  	s13 =	simm.s32 $0x0;
	[sflag:s5] =	ssyncadd.s32 $0xFFFFFF80  }
0x1c: {  	v0 =	vld.msk [tilespmem:s13+$0x80 ss:$0x1], $0xffff;
	_ =	sdelay $0x4  }
0x1d: {  	vm2 =	vgt.s32 v0, $0x0  }
0x1e: {  	v0 =	vnsel vm2, $0x0, v0  }
0x1f: {  	v0 =	vmin.u32 v0, $0xFFF  }
0x20: {  	v0 =	vshll.u32 v0, $0x4;
	_ =	sdelay $0x3  }
0x21: {  	s13 =	simm.s32 $0x4100  }
0x22: {  	[tilespmem:s13], [sflag:$0x1] =	stream.indirect_vreg.gather [hbm:s3], $0x80, v0, vm0, $0x38;
	[tilespmem:$0x8100] =	vst v63  }
0x23: {  	s14 =	simm.s32 $0x4500;
	s31 =	simm.s32 $0x10  }
0x24: {  	[tilespmem:s14], [sflag:$0x1] =	stream.indirect_vreg.gather [hbm:s3], $0x80, v0, vm1, $0x38;
	[tilespmem:$0x8100] =	vst v63  }
0x25: {  	s14 =	simm.s32 $0x80;
	v0 =	vld.msk [tilespmem:s31+$0x80 ss:$0x1], $0xffff  }
.LBB2_5:
0x26: {  	p0 =	sne.s32 s14, $0x1C0;
	_ =	sdelay $0x4  }
0x27: {  	vm2 =	vgt.s32 v0, $0x0  }
0x28: {  	v0 =	vnsel vm2, $0x0, v0  }
0x29: {  	v0 =	vmin.u32 v0, $0xFFF  }
0x2a: {  	v0 =	vshll.u32 v0, $0x4;
	_ =	sdelay $0x3  }
.Ltmp4:
0x2b: {  	s13 =	sadd.s32 $0x800, s13;
	(pc) =	sbr.rel @p0 .LBB2_5-.Ltmp4, $4  }
0x2c: {  	[tilespmem:s13], [sflag:$0x1] =	stream.indirect_vreg.gather [hbm:s3], $0x80, v0, vm0, $0x38;
	[tilespmem:$0x8100] =	vst v63  }
0x2d: {  	s15 =	sshra.s32 s14, $0x2;
	s16 =	sadd.s32 $0x400, s13  }
0x2e: {  	[tilespmem:s16], [sflag:$0x1] =	stream.indirect_vreg.gather [hbm:s3], $0x80, v0, vm1, $0x38;
	[tilespmem:$0x8100] =	vst v63  }
0x2f: {  	s14 =	sadd.s32 $0x40, s14;
	v0 =	vld.msk [tilespmem:s15+$0x80 ss:$0x1], $0xffff  }
0x30: {  	_ =	sdelay $0x3  }
0x31: {  	vm2 =	vgt.s32 v0, $0x0  }
0x32: {  	v0 =	vnsel vm2, $0x0, v0  }
0x33: {  	v0 =	vmin.u32 v0, $0xFFF  }
0x34: {  	v0 =	vshll.u32 v0, $0x4;
	_ =	sdelay $0x3  }
0x35: {  	s13 =	sadd.s32 $0x800, s13  }
0x36: {  	[tilespmem:s13], [sflag:$0x1] =	stream.indirect_vreg.gather [hbm:s3], $0x80, v0, vm0, $0x38;
	[tilespmem:$0x8100] =	vst v63  }
0x37: {  	s13 =	sadd.s32 $0x400, s13  }
0x38: {  	[tilespmem:s13], [sflag:$0x1] =	stream.indirect_vreg.gather [hbm:s3], $0x80, v0, vm1, $0x38;
	[tilespmem:$0x8100] =	vst v63  }
0x39: {  	s12 =	sshll.u32 s12, $0x4;
	s14 =	simm.s32 $0x80;
	_ =	swait.ge [sflag:s4], $0x4000  }
0x3a: {  	s15 =	simm.s32 $0x4500;
	s12 =	sadd.s32 s12, s7;
	[sflag:s4] =	ssyncset.done $0x0  }
0x3b: {  	s16 =	sadd.s32 $0x0, s12;
	s13 =	simm.s32 $0x4100;
	[sflag:s4] =	ssyncadd.s32 $0xFFFFC000  }
.LBB2_7:
0x3c: {  	[hbm:s16] =	stream.linear.scatter [tilespmem:s13], [sflag:$0x3], $0x400, $0x38;
	[tilespmem:$0x8100] =	vst v63  }
0x3d: {  	s16 =	smov.u32 s14;
	s13 =	smov.u32 s15;
	p0 =	sne.s32 s14, $0x780  }
.Ltmp5:
0x3e: {  	s14 =	sadd.s32 $0x80, s14;
	(pc) =	sbr.rel @p0 .LBB2_7-.Ltmp5, $2  }
0x3f: {  	_ =	sdelay $0x2  }
0x40: {  	s15 =	sadd.s32 $0x400, s15;
	s16 =	sadd.s32 s16, s12  }
.Ltmp6:
0x41: {  	(pc) =	sbr.rel .LBB2_9-.Ltmp6, $2  }
0x42: {  	_ =	sdelay $0x2  }
0x43: {  	[hbm:s16] =	stream.linear.scatter [tilespmem:s13], [sflag:$0x3], $0x400, $0x38;
	[tilespmem:$0x8100] =	vst v63  }
.LBB2_2:
.Ltmp7:
0x44: {  	(pc) =	sbr.rel .LBB2_10-.Ltmp7, $4  }
0x45: {  	_ = 	snop  }
0x46: {  	s12 =	sshrl.u32 s11, $0x3  }
0x47: {  	s13 =	sand.u32 $0x7, s11;
	s12 =	sadd.s32 s2, s12  }
0x48: {  	[tilespmem:s9], [sflag:$0x2] =	stream.linear.gather [hbm4b:s12+s13], $0x80, $0x38;
	[tilespmem:$0x8100] =	vst v63  }
.LBB2_11:
0x49: {  	s2 =	simm.s32 $0x3  }
0x4a: {  	_ =	swait.ge [sflag:s2], $0x4000  }
0x4b: {  	[sflag:s2] =	ssyncset.done $0x0  }
0x4c: {  	[sflag:s2] =	ssyncadd.s32 $0xFFFFC000  }
0x4d: {  	_ =	sfence.sel $0x180000  }
0x4e: {  	s3 =	simm.s32 $0x2;
	[bflag:$0x0] =	sbarrier.arrive $0xFFFF  }
0x4f: {  	[sflag:s3] =	ssyncpa.u1 $0x1  }
0x50: {  	s31 =	simm.s32 $0x1;
	[sflag:s2] =	ssyncpa.u1 $0x1  }
0x51: {  	[sflag:s31] =	ssyncpa.u1 $0x1  }
0x52: {  	p0 =	sne.s32 s1, $0x0;
	_ =	strace $0x90000047  }
0x53: {  	s0 =	sadd.s32 @!p0 $0x100000, s0;
	[bflag:$0x2] =	sbarrier.arrive $0xFFFF  }
0x54: {  	[sflag:s0] =	ssyncadd.tile.s32 @!p0 $0x1;
	_ =	shalt  }
.Lfunc_end2:
_tile_overlayer_lowered:
.L_overlay_start_2:
0x55: {  	(tag) =	ssettag $0x2  }
0x56: {  	s0 =	rddreg [dreg:$0x0];
	s2 =	stileid.u32  }
0x57: {  	s1 =	rddreg [dreg:$0x1];
	p0 =	sne.s32 s2, $0x0  }
0x58: {  	s3 =	rddreg [dreg:$0x2];
	[bflag:$0x3] =	sbarrier.arrive $0xFFFF;
	s2 =	simm.s32 @!p0 $0x1C01  }
0x59: {  	[timem:s3], [sflag:s2] =	dma.local @!p0 [hbm:s0], s1  }
0x5a: {  	s0 =	simm.s32 @!p0 $0x1  }
0x5b: {  	_ =	swait.ge @!p0 [sflag:s0], s1  }
0x5c: {  	s1 =	ssub.s32 @!p0 $0x0, s1;
	[sflag:s0] =	ssyncset.done @!p0 $0x0  }
0x5d: {  	[sflag:s0] =	ssyncadd.s32 @!p0 s1  }
0x5e: {  	[bflag:$0x3] =	sbarrier.arrive $0xFFFF  }
0x5f: {  	_ =	shalt  }

// kernel: kernel.6.cloned.1.call-start
scs
__scs_entry_jumppad:
0x0: {  	(pc) =	sbr.rel $0x88, $3  }
0x1: {  	(tag) =	ssettag $0x0;
	lr =	simm.s32 $0x1  }
0x2: {  	[smem:$0x3F95] =	sst lr;
	_ =	strace $0xD0000000  }
0x3: {  	_ = 	snop  }
0x4: {  	_ = 	snop  }
0x5: {  	_ = 	snop  }
0x6: {  	_ = 	snop  }
0x7: {  	_ = 	snop  }
__scs_overlays_trampoline_lowered:
0x8: {  	[smem:$0x3FA4] =	sst s0  }
0x9: {  	[smem:$0x3FA5] =	sst s1  }
0xa: {  	[smem:$0x3FA6] =	sst s2  }
0xb: {  	[smem:$0x3FA7] =	sst s3  }
0xc: {  	[smem:$0x3FA8] =	sst s4  }
0xd: {  	[smem:$0x3FA9] =	sst s5  }
0xe: {  	[smem:$0x3FAA] =	sst s6  }
0xf: {  	[smem:$0x3FAB] =	sst s7  }
0x10: {  	[smem:$0x3FAC] =	sst s8  }
0x11: {  	[smem:$0x3FAD] =	sst s9;
	s0 =	simm.s32 @!p0 $0x0  }
0x12: {  	s1 =	sld [smem:$0x3F93];
	s0 =	simm.s32 @p0 $0x1  }
0x13: {  	[smem:$0x3FAE] =	sst s0;
	s0 =	simm.s32 @!p1 $0x0  }
0x14: {  	s2 =	sld [smem:$0x3F92];
	s0 =	simm.s32 @p1 $0x1  }
0x15: {  	[smem:$0x3FAF] =	sst s0;
	s0 =	simm.s32 @!p2 $0x0  }
0x16: {  	s3 =	sld [smem:$0x3FDB];
	s0 =	simm.s32 @p2 $0x1  }
0x17: {  	s4 =	simm.s32 $0x1BF5;
	[smem:$0x3FB1] =	sst s0  }
0x18: {  	s0 =	sld [smem:$0x3F94];
	_ =	swait.ge [sflag:s4], $0x0  }
0x19: {  	s7 =	sld [smem:$0x3F95]  }
0x1a: {  	s8 =	sadd.s32 $0xFFFFE003, lr  }
0x1b: {  	s9 =	sadd.s32 $0xFFFFFEF7, lr;
	s5 =	simm.s32 $0xFFFFFFFF;
	p2 =	slt.u32 s8, $0xFFFFF086  }
0x1c: {  	p1 =	slt.u32 s9, $0xF7A;
	s5 =	simm.s32 @!p2 $0x0  }
0x1d: {  	s5 =	simm.s32 @p1 $0x1;
	p0 =	seq.s32 s7, s2  }
0x1e: {  	s7 =	smul.u32 @!p0 $0xF7A, s2;
	p2 =	seq.s32 @!p0 s5, $0x0  }
0x1f: {  	s9 =	smul.u32 $0xF7A, s1;
	s8 =	simm.s32 @!p0 $0x1BF5;
	p2 =	por !p2, p0  }
0x20: {  	[sflag:s8] =	ssyncset.s32 @!p0 $0xFFFFF086;
	s6 =	sadd.s32 @!p0 s3, s7;
	s7 =	simm.s32 @!p0 $0x108  }
0x21: {  	s3 =	sadd.s32 s3, s9;
	s6 =	sadd.s32 @!p0 $0x88, s6;
	s7 =	simm.s32 @p2 $0x1082  }
0x22: {  	[simem:s7], [sflag:s8] =	dma.local @!p0 [hbm:s6], $0xF7A  }
0x23: {  	s9 =	sor.u32 $0xD0000000, s2;
	s6 =	simm.s32 $0x108;
	_ =	swait.ge @!p0 [sflag:s8], $0x0  }
0x24: {  	s3 =	sadd.s32 $0x88, s3;
	s6 =	simm.s32 @!p1 $0x1082;
	[sflag:s4] =	ssyncset.s32 $0xFFFFF086  }
0x25: {  	[simem:s6], [sflag:s4] =	dma.local [hbm:s3], $0xF7A  }
0x26: {  	[smem:$0x3F95] =	sst s1;
	(tag) =	ssettag s2;
	_ =	strace s9  }
0x27: {  	s1 =	sld [smem:$0x3FA5]  }
0x28: {  	s2 =	sld [smem:$0x3FA6]  }
0x29: {  	s4 =	sld [smem:$0x3FA8]  }
0x2a: {  	p0 =	seq.s32 s5, $0x0;
	s5 =	sld [smem:$0x3FA9]  }
0x2b: {  	s6 =	sld [smem:$0x3FAA]  }
0x2c: {  	s7 =	sld [smem:$0x3FAB]  }
0x2d: {  	s3 =	simm.s32 $0x108;
	s8 =	sld [smem:$0x3FAC]  }
0x2e: {  	s3 =	simm.s32 @!p0 $0x1082;
	s9 =	sld [smem:$0x3FAD]  }
0x2f: {  	lr =	sadd.s32 s0, s3;
	s0 =	sld [smem:$0x3FA4]  }
0x30: {  	s3 =	sld [smem:$0x3FA7]  }
0x31: {  	[smem:$0x3FB0] =	sst s10  }
0x32: {  	s10 =	sld [smem:$0x3FAE];
	_ =	sdelay $0x3  }
0x33: {  	p0 =	seq.s32 s10, $0x1;
	s10 =	sld [smem:$0x3FB0];
	_ =	sdelay $0x3  }
0x34: {  	[smem:$0x3FB0] =	sst s10  }
0x35: {  	s10 =	sld [smem:$0x3FAF];
	_ =	sdelay $0x3  }
0x36: {  	p1 =	seq.s32 s10, $0x1;
	s10 =	sld [smem:$0x3FB0];
	_ =	sdelay $0x3  }
0x37: {  	[smem:$0x3FB0] =	sst s10  }
0x38: {  	s10 =	sld [smem:$0x3FB1]  }
0x39: {  	_ = 	snop;
	(pc) =	sbr.ind lr, $3  }
0x3a: {  	_ = 	snop  }
0x3b: {  	_ = 	snop  }
0x3c: {  	p2 =	seq.s32 s10, $0x1;
	s10 =	sld [smem:$0x3FB0]  }
0x3d: {  	_ =	shalt  }
0x3e: {  	_ =	shalt  }
0x3f: {  	_ =	shalt  }
0x40: {  	_ =	shalt  }
0x41: {  	_ =	shalt  }
0x42: {  	_ =	shalt  }
0x43: {  	_ =	shalt  }
0x44: {  	_ =	shalt  }
0x45: {  	_ =	shalt  }
0x46: {  	_ =	shalt  }
0x47: {  	_ =	shalt  }
0x48: {  	_ =	shalt  }
0x49: {  	_ =	shalt  }
0x4a: {  	_ =	shalt  }
0x4b: {  	_ =	shalt  }
0x4c: {  	_ =	shalt  }
0x4d: {  	_ =	shalt  }
0x4e: {  	_ =	shalt  }
0x4f: {  	_ =	shalt  }
0x50: {  	_ =	shalt  }
0x51: {  	_ =	shalt  }
0x52: {  	_ =	shalt  }
0x53: {  	_ =	shalt  }
0x54: {  	_ =	shalt  }
0x55: {  	_ =	shalt  }
0x56: {  	_ =	shalt  }
0x57: {  	_ =	shalt  }
0x58: {  	_ =	shalt  }
0x59: {  	_ =	shalt  }
0x5a: {  	_ =	shalt  }
0x5b: {  	_ =	shalt  }
0x5c: {  	_ =	shalt  }
0x5d: {  	_ =	shalt  }
0x5e: {  	_ =	shalt  }
0x5f: {  	_ =	shalt  }
0x60: {  	_ =	shalt  }
0x61: {  	_ =	shalt  }
0x62: {  	_ =	shalt  }
0x63: {  	_ =	shalt  }
0x64: {  	_ =	shalt  }
0x65: {  	_ =	shalt  }
0x66: {  	_ =	shalt  }
0x67: {  	_ =	shalt  }
0x68: {  	_ =	shalt  }
0x69: {  	_ =	shalt  }
0x6a: {  	_ =	shalt  }
0x6b: {  	_ =	shalt  }
0x6c: {  	_ =	shalt  }
0x6d: {  	_ =	shalt  }
0x6e: {  	_ =	shalt  }
0x6f: {  	_ =	shalt  }
0x70: {  	_ =	shalt  }
0x71: {  	_ =	shalt  }
0x72: {  	_ =	shalt  }
0x73: {  	_ =	shalt  }
0x74: {  	_ =	shalt  }
0x75: {  	_ =	shalt  }
0x76: {  	_ =	shalt  }
0x77: {  	_ =	shalt  }
0x78: {  	_ =	shalt  }
0x79: {  	_ =	shalt  }
0x7a: {  	_ =	shalt  }
0x7b: {  	_ =	shalt  }
0x7c: {  	_ =	shalt  }
0x7d: {  	_ =	shalt  }
0x7e: {  	_ =	shalt  }
0x7f: {  	_ =	shalt  }
0x80: {  	_ =	shalt  }
0x81: {  	_ =	shalt  }
0x82: {  	_ =	shalt  }
0x83: {  	_ =	shalt  }
0x84: {  	_ =	shalt  }
0x85: {  	_ =	shalt  }
0x86: {  	_ =	shalt  }
0x87: {  	_ =	shalt  }
.Lfunc_end0:
.L_simem_size_0:
called_computation.1_lowered:
.L_overlay_start_0:
0x88: {  	s2 =	sld [smem:$0x3FD9]  }
0x89: {  	s3 =	sld [smem:$0x3FFE];
	_ =	sdelay $0x1  }
0x8a: {  	s1 =	srdreg.scid  }
0x8b: {  	s0 =	sand.u32 $0x1, s1  }
0x8c: {  	s17 =	sshll.u32 s0, $0xA;
	s2 =	sadd.s32 s3, s2  }
0x8d: {  	s2 =	sadd.s32 s2, s17  }
0x8e: {  	[smem:$0x3FBC] =	sst s2  }
0x8f: {  	_ = 	snop  }
0x90: {  	s2 =	sld [smem:$0x3FD0];
	(tm) =	ssettm $0x1  }
0x91: {  	s18 =	sld [smem:$0x3FFB];
	_ =	sdelay $0x3  }
0x92: {  	_ =	strace s18  }
0x93: {  	s3 =	sld [smem:$0x3FFC];
	_ =	sdelay $0x3  }
0x94: {  	_ =	strace s3  }
0x95: {  	s3 =	sld [smem:$0x3FFD];
	_ =	sdelay $0x3  }
0x96: {  	_ =	strace s3  }
0x97: {  	_ =	strace $0x8FFFFFFF  }
0x98: {  	s19 =	sld [smem:$0x3FDB];
	_ =	sdelay $0x1  }
0x99: {  	s4 =	simm.s32 $_scs_section_size  }
0x9a: {  	s5 =	simm.s32 $_size__tile_overlayer_lowered;
	s6 =	simm.s32 $_tile_overlayer_lowered  }
0x9b: {  	s22 =	simm.s32 $0x1BFF;
	s21 =	sshll.u32 s6, $0x1;
	s3 =	sadd.s32 s4, s19  }
0x9c: {  	s7 =	simm.s32 $0x0;
	s20 =	sshll.u32 s5, $0x1;
	s5 =	sadd.s32 s21, s3  }
0x9d: {  	[timem:s7], [sflag:s22] =	dma.local [hbm:s5], s20  }
0x9e: {  	_ =	swait.ge [sflag:s22], s20  }
0x9f: {  	s4 =	ssub.s32 $0x0, s20;
	[sflag:s22] =	ssyncset.done $0x0  }
0xa0: {  	[sflag:s22] =	ssyncadd.s32 s4;
	_ =	sdelay $0x1  }
0xa1: {  	s23 =	simm.s32 $0x1B8B  }
0xa2: {  	_ =	swait.ge [sflag:s23], $0x1  }
0xa3: {  	[sflag:s23] =	ssyncset.done $0x0  }
0xa4: {  	s25 =	simm.s32 $0x1B8E;
	s24 =	sld [smem:$0x3FFE];
	[sflag:s23] =	ssyncadd.s32 $0xFFFFFFFF  }
0xa5: {  	s26 =	simm.s32 $execute0_lowered;
	[smem:$0x3FD2] =	sst s25  }
0xa6: {  	s5 =	sshll.u32 s26, $0x1;
	_ =	strace $0x80000049;
	[dreg:$0x1] =	wrdreg $0xFFFFFFFF  }
0xa7: {  	s28 =	simm.s32 $_size_execute0_lowered;
	s3 =	sadd.s32 s3, s5;
	[dreg:$0x0] =	wrdreg $0x0  }
0xa8: {  	s5 =	sshll.u32 s28, $0x1;
	[dreg:$0x2] =	wrdreg s3  }
0xa9: {  	[dreg:$0x3] =	wrdreg s5  }
0xaa: {  	[dreg:$0x4] =	wrdreg $0xC0  }
0xab: {  	_ =	task [dreg:s7], $0x5FFFF  }
0xac: {  	[dreg:$0x1] =	wrdreg $0xFFFFFFFF  }
0xad: {  	[dreg:$0x0] =	wrdreg $0x60  }
0xae: {  	[dreg:$0x2] =	wrdreg s24  }
0xaf: {  	[dreg:$0x3] =	wrdreg s2  }
0xb0: {  	[dreg:$0x4] =	wrdreg $0x9  }
0xb1: {  	_ =	task.clear_ibuf [dreg:s7], $0x5FFFF;
	_ =	strace $0x90000049  }
0xb2: {  	s29 =	simm.s32 $0x9;
	_ =	strace $0x8000004B  }
0xb3: {  	_ =	swait.ge [sflag:s29], $0x1  }
0xb4: {  	[sflag:s29] =	ssyncadd.s32 $0xFFFFFFFF  }
0xb5: {  	_ =	strace $0x9000004B  }
0xb6: {  	_ =	sfence  }
0xb7: {  	s30 =	sld [smem:$0x0];
	_ =	sdelay $0x2  }
0xb8: {  	s31 =	sshll.u32 s1, $0xD;
	s1 =	sshrl.u32 s1, $0x2  }
0xb9: {  	s3 =	sand.u32 $0x4000, s31;
	s1 =	sadd.s32 s1, s30  }
0xba: {  	s0 =	sor.u32 s3, s0;
	s1 =	sshll.u32 s1, $0x11  }
0xbb: {  	s0 =	sor.u32 s1, s0  }
0xbc: {  	s0 =	sadd.s32 $0x8F2B, s0  }
0xbd: {  	[sflag:s0] =	ssyncadd.remote.s32 $0x1  }
0xbe: {  	_ =	sfence.sel $0xFFFF  }
0xbf: {  	[dreg:$0x0] =	wrdreg $0xFFFFFFFF;
	(pc) =	sbr.abs _section_cstart, $3  }
0xc0: {  	[dreg:$0x1] =	wrdreg $0xFFFFFFFF  }
0xc1: {  	_ =	task.clear_ibuf [dreg:s7], $0x2FFFF;
	_ =	strace $0x9FFFFFFF  }
0xc2: {  	(tm) =	ssettm $0x7FFFFFFF  }
0xc3: {  	_ =	shalt  }
tec
execute0_lowered:
.L_overlay_start_1:
0x0: {  	(tag) =	ssettag $0x1  }
0x1: {  	s0 =	srdreg.scid  }
0x2: {  	s1 =	stileid.u32;
	s5 =	sand.u32 $0x1, s0  }
0x3: {  	s6 =	sor.u32 s1, s5  }
0x4: {  	p0 =	sne.s32 s6, $0x0  }
.Ltmp0:
0x5: {  	_ = 	snop;
	(pc) =	sbr.rel @p0 .LBB2_7-.Ltmp0, $4  }
0x6: {  	s2 =	rddreg [dreg:$0x0]  }
0x7: {  	s3 =	rddreg [dreg:$0x1];
	s4 =	simm.s32 $0x0  }
0x8: {  	[smem:$0x7FF] =	sst s4  }
0x9: {  	s0 =	rddreg [dreg:$0x2];
	_ =	strace $0x8000004A  }
0xa: {  	v0 =	vlaneseq.u32;
	vm0 =	vmmov $0xf  }
0xb: {  	v17 =	vimm.s32 $0x0;
	v18 =	vimm.s32 $0x1;
	v19 =	vimm.s32 $0x2  }
0xc: {  	v20 =	vimm.s32 $0x3;
	v21 =	vimm.s32 $0x4;
	v22 =	vimm.s32 $0x5  }
0xd: {  	v23 =	vimm.s32 $0x6;
	v24 =	vimm.s32 $0x7;
	v1 =	vor.u32 $0x10, v0  }
0xe: {  	v2 =	vor.u32 $0x20, v0;
	v3 =	vor.u32 $0x30, v0;
	v4 =	vor.u32 $0x40, v0  }
0xf: {  	v5 =	vor.u32 $0x50, v0;
	v6 =	vor.u32 $0x60, v0;
	v7 =	vor.u32 $0x70, v0  }
0x10: {  	s7 =	ssub.s32 $0x2, s5;
	s5 =	sadd.s32 $0x20200, s2;
	v8 =	vor.u32 $0x80, v0;
	v9 =	vor.u32 $0x90, v0;
	v10 =	vor.u32 $0xA0, v0  }
0x11: {  	s6 =	sadd.s32 $0x4000, s2;
	s9 =	simm.s32 $0x1;
	s10 =	simm.s32 $0x8000;
	v11 =	vor.u32 $0xB0, v0;
	v12 =	vor.u32 $0xC0, v0;
	v13 =	vor.u32 $0xD0, v0  }
0x12: {  	s11 =	simm.s32 $0x8500;
	s12 =	simm.s32 $0x0;
	v14 =	vor.u32 $0xE0, v0;
	v15 =	vor.u32 $0xF0, v0;
	v16 =	vand.u32 $0x3, v0;
	s8 =	sshrl.u32 s7, $0x1  }
0x13: {  	s13 =	simm.s32 $0x0;
	v25 =	vor.u32 $0x8, v0;
	v26 =	vshrl.u32 v0, $0x2;
	[tilespmem:$0x1FFF0] =	vst v1;
	s7 =	ssub.s32 s7, s8;
	s8 =	simm.s32 $0x8400;
	v27 =	vor.u32 $0x4, v16  }
.LBB2_2:
0x14: {  	[tilespmem:s8], [sflag:$0x1] =	stream.linear.gather [hbm4b:s5+s13], $0x100, $0x38;
	[tilespmem:$0xC500] =	vst v63  }
0x15: {  	_ =	swait.ge [sflag:s9], $0x100  }
0x16: {  	[sflag:s9] =	ssyncset.done $0x0  }
0x17: {  	v1 =	vld [tilespmem:$0x1FFF0];
	[sflag:s9] =	ssyncadd.s32 $0xFFFFFF00  }
0x18: {  	v28 =	vld.idx.msk [tilespmem:v0+s8+$0x0], $0xffff  }
0x19: {  	v30 =	vld.idx.msk [tilespmem:v2+s8+$0x0], $0xffff  }
0x1a: {  	v31 =	vld.idx.msk [tilespmem:v3+s8+$0x0], $0xffff  }
0x1b: {  	v32 =	vld.idx.msk [tilespmem:v4+s8+$0x0], $0xffff  }
0x1c: {  	v33 =	vld.idx.msk [tilespmem:v5+s8+$0x0], $0xffff  }
0x1d: {  	v34 =	vld.idx.msk [tilespmem:v6+s8+$0x0], $0xffff  }
0x1e: {  	v35 =	vld.idx.msk [tilespmem:v7+s8+$0x0], $0xffff  }
0x1f: {  	v36 =	vld.idx.msk [tilespmem:v8+s8+$0x0], $0xffff  }
0x20: {  	v37 =	vld.idx.msk [tilespmem:v9+s8+$0x0], $0xffff  }
0x21: {  	v38 =	vld.idx.msk [tilespmem:v10+s8+$0x0], $0xffff  }
0x22: {  	v39 =	vld.idx.msk [tilespmem:v11+s8+$0x0], $0xffff  }
0x23: {  	v40 =	vld.idx.msk [tilespmem:v12+s8+$0x0], $0xffff  }
0x24: {  	v41 =	vld.idx.msk [tilespmem:v13+s8+$0x0], $0xffff  }
0x25: {  	v42 =	vld.idx.msk [tilespmem:v14+s8+$0x0], $0xffff  }
0x26: {  	v43 =	vld.idx.msk [tilespmem:v15+s8+$0x0], $0xffff  }
0x27: {  	v44 =	vimm.f32 $0.0e+00;
	s14 =	simm.s32 $0x0;
	v29 =	vld.idx.msk [tilespmem:v1+s8+$0x0], $0xffff  }
.LBB2_3:
0x28: {  	s15 =	sshll.u32 s14, $0xC  }
0x29: {  	s16 =	simm.s32 $0x0;
	s25 =	simm.s32 $0x1;
	s15 =	sadd.s32 s2, s15  }
0x2a: {  	v45 =	vmov s16;
	[tilespmem:s13], [sflag:$0x1] =	stream.linear.gather [hbm4b:s15+s13], $0x8000, $0x38;
	[tilespmem:$0xC500] =	vst v63  }
0x2b: {  	v45 =	vand.u32 $0xFFFFFFFE, v45;
	_ =	swait.ge [sflag:s25], $0x8000  }
0x2c: {  	s26 =	sshll.u32 s14, $0x7;
	v45 =	vbroadcast v45, $0x0;
	[sflag:s25] =	ssyncset.done $0x0  }
0x2d: {  	s16 =	sadd.s32 s3, s26;
	[sflag:s25] =	ssyncadd.s32 $0xFFFF8000  }
0x2e: {  	[tilespmem:s10], [sflag:$0x1] =	stream.linear.gather [hbm4b:s16+s13], $0x400, $0x38;
	[tilespmem:$0xC500] =	vst v63  }
0x2f: {  	_ =	swait.ge [sflag:s25], $0x400  }
0x30: {  	[sflag:s25] =	ssyncset.done $0x0  }
0x31: {  	[sflag:s25] =	ssyncadd.s32 $0xFFFFFC00  }
0x32: {  	v45 =	vld.idx.msk [tilespmem:v45+s10+$0x0], $0xffff;
	_ =	sdelay $0x4  }
0x33: {  	v46 =	vshrl.u32 v45, $0x2  }
0x34: {  	v47 =	vsel vm0, v45, v46  }
0x35: {  	v47 =	vshll.u32 v47, $0x2  }
0x36: {  	v47 =	vor.u32 v16, v47  }
0x37: {  	v47 =	vperm.xlane v44, v47;
	_ =	sdelay $0x1  }
0x38: {  	v48 =	vperm.xlane v47, v17;
	v49 =	vperm.xlane v47, v24  }
0x39: {  	v50 =	vperm.xlane v47, v19;
	v51 =	vperm.xlane v47, v21  }
0x3a: {  	v53 =	vperm.xlane v47, v23;
	v57 =	vperm.xlane v47, v22  }
0x3b: {  	v59 =	vperm.xlane v47, v18;
	v60 =	vperm.xlane v47, v20  }
0x3c: {  	v52 =	vmul.f32 v48, v28;
	v54 =	vmul.f32 v50, v30  }
0x3d: {  	v58 =	vor.u32 s13, v0;
	v55 =	vmul.f32 v49, v35;
	v56 =	vmul.f32 v51, v32  }
0x3e: {  	v61 =	vmul.f32 v53, v34;
	v62 =	vmul.f32 v57, v33  }
0x3f: {  	v63 =	vmul.f32 v59, v29;
	v1 =	vmul.f32 v60, v31  }
0x40: {  	v56 =	vadd.f32 v62, v56;
	v55 =	vadd.f32 v55, v61  }
0x41: {  	v52 =	vadd.f32 v63, v52;
	v1 =	vadd.f32 v1, v54  }
0x42: {  	v58 =	vld.idx.msk [tilespmem:v58+s4+$0x0], $0xffff  }
0x43: {  	v55 =	vadd.f32 v55, v56;
	v1 =	vadd.f32 v1, v52;
	_ =	sdelay $0x1  }
0x44: {  	v1 =	vadd.f32 v55, v1;
	_ =	sdelay $0x1  }
0x45: {  	v1 =	vadd.f32 v1, v58;
	_ =	sdelay $0x1  }
0x46: {  	v1 =	vsub.f32 $0.0e+00, v1;
	_ =	sdelay $0x1  }
0x47: {  	v1 =	vmul.f32 $1.442695020e+00, v1;
	_ =	sdelay $0x1  }
0x48: {  	(erf) = vpow2.f32 v1;
	_ =	sdelay $0x6  }
0x49: {  	s28 =	simm.s32 $0x10;
	v48 =	vmul.f32 v48, v36;
	v50 =	vmul.f32 v50, v38  }
0x4a: {  	v51 =	vmul.f32 v51, v40;
	v1 =	vmul.f32 v49, v43;
	v49 =	vor.u32 s28, v0  }
0x4b: {  	v61 =	vmul.f32 v60, v39;
	v63 =	vmul.f32 v57, v41;
	v62 =	vpop (erf)  }
0x4c: {  	v52 =	vmul.f32 v53, v42;
	v53 =	vmul.f32 v59, v37;
	v55 =	vadd.f32 $1.000000000e+00, v62  }
0x4d: {  	v50 =	vadd.f32 v61, v50;
	v51 =	vadd.f32 v63, v51  }
0x4e: {  	v48 =	vadd.f32 v53, v48;
	v1 =	vadd.f32 v1, v52;
	(erf) = vrcp.f32 v55  }
0x4f: {  	v49 =	vld.idx.msk [tilespmem:v49+s4+$0x0], $0xffff  }
0x50: {  	v48 =	vadd.f32 v50, v48;
	v1 =	vadd.f32 v1, v51;
	_ =	sdelay $0x1  }
0x51: {  	v1 =	vadd.f32 v1, v48;
	_ =	sdelay $0x1  }
0x52: {  	v1 =	vadd.f32 v1, v49;
	_ =	sdelay $0x1  }
0x53: {  	v55 =	vperm.xlane v1, v25  }
0x54: {  	v56 =	vpop (erf)  }
0x55: {  	v48 =	vmul.f32 v56, v55;
	_ =	sdelay $0x1  }
0x56: {  	v1 =	vadd.f32 v48, v1;
	_ =	sdelay $0x1  }
0x57: {  	v1 =	vmul.f32 $-2.000000000e+00, v1;
	_ =	sdelay $0x1  }
0x58: {  	v1 =	vmul.f32 $1.442695020e+00, v1;
	_ =	sdelay $0x1  }
0x59: {  	(erf) = vpow2.f32 v1;
	_ =	sdelay $0x8  }
0x5a: {  	v1 =	vpop (erf)  }
0x5b: {  	v57 =	vadd.f32 $1.000000000e+00, v1;
	_ =	sdelay $0x1  }
0x5c: {  	(erf) = vrcp.f32 v57;
	_ =	sdelay $0x5  }
0x5d: {  	v58 =	vor.u32 s13, v0  }
0x5e: {  	v59 =	vmov s25  }
0x5f: {  	v1 =	vsub.f32 $1.000000000e+00, v1  }
0x60: {  	v60 =	vpop (erf)  }
0x61: {  	v1 =	vmul.f32 v60, v1  }
0x62: {  	[tilespmem:v58+s11+$0x0] =	vst.idx.msk $0xffff, v47  }
0x63: {  	v49 =	vperm.xlane v56, v25;
	v48 =	vld.idx.msk [tilespmem:v59+s10+$0x0], $0xffff;
	v47 =	vsub.f32 v47, v1;
	_ =	sdelay $0x1  }
0x64: {  	v47 =	vmul.f32 v47, v49;
	_ =	sdelay $0x1  }
0x65: {  	vm1 =	veq.s32 v46, v26;
	v1 =	vadd.f32 v47, v1  }
0x66: {  	v45 =	vand.u32 $0x3, v45;
	v46 =	vsel vm1, v27, v16;
	v49 =	vshrl.u32 v48, $0x2  }
0x67: {  	vm2 =	veq.s32 v45, v26;
	v61 =	vsel vm0, v48, v49;
	v1 =	vperm.xlane v1, v46  }
0x68: {  	vm1 =	vmor vm1, vm2;
	v45 =	vshll.u32 v61, $0x2  }
0x69: {  	v44 =	vsel vm1, v1, v44;
	v1 =	vor.u32 v16, v45  }
0x6a: {  	v45 =	vperm.xlane v44, v1;
	_ =	sdelay $0x1  }
0x6b: {  	v1 =	vperm.xlane v45, v17;
	v46 =	vperm.xlane v45, v18  }
0x6c: {  	v47 =	vperm.xlane v45, v19;
	v50 =	vperm.xlane v45, v20  }
0x6d: {  	v51 =	vperm.xlane v45, v21;
	v52 =	vperm.xlane v45, v23  }
0x6e: {  	v54 =	vperm.xlane v45, v24;
	v59 =	vperm.xlane v45, v22  }
0x6f: {  	s29 =	simm.s32 $0x20;
	v53 =	vmul.f32 v47, v30;
	v55 =	vmul.f32 v50, v31  }
0x70: {  	v57 =	vor.u32 s29, v0;
	v56 =	vmul.f32 v1, v28;
	v58 =	vmul.f32 v54, v35  }
0x71: {  	v60 =	vmul.f32 v46, v29;
	v61 =	vmul.f32 v51, v32  }
0x72: {  	v62 =	vmul.f32 v52, v34;
	v63 =	vmul.f32 v59, v33  }
0x73: {  	v56 =	vadd.f32 v60, v56;
	v53 =	vadd.f32 v55, v53  }
0x74: {  	v62 =	vadd.f32 v58, v62;
	v60 =	vadd.f32 v63, v61  }
0x75: {  	v57 =	vld.idx.msk [tilespmem:v57+s4+$0x0], $0xffff  }
0x76: {  	v53 =	vadd.f32 v53, v56;
	v55 =	vadd.f32 v62, v60;
	_ =	sdelay $0x1  }
0x77: {  	v53 =	vadd.f32 v55, v53;
	_ =	sdelay $0x1  }
0x78: {  	v53 =	vadd.f32 v53, v57;
	_ =	sdelay $0x1  }
0x79: {  	v53 =	vsub.f32 $0.0e+00, v53;
	_ =	sdelay $0x1  }
0x7a: {  	v53 =	vmul.f32 $1.442695020e+00, v53;
	_ =	sdelay $0x1  }
0x7b: {  	(erf) = vpow2.f32 v53;
	_ =	sdelay $0x6  }
0x7c: {  	s30 =	simm.s32 $0x30;
	v46 =	vmul.f32 v46, v37;
	v1 =	vmul.f32 v1, v36  }
0x7d: {  	v50 =	vmul.f32 v50, v39;
	v51 =	vmul.f32 v51, v40;
	v61 =	vor.u32 s30, v0  }
0x7e: {  	v52 =	vmul.f32 v52, v42;
	v54 =	vmul.f32 v54, v43;
	v62 =	vpop (erf)  }
0x7f: {  	v47 =	vmul.f32 v47, v38;
	v63 =	vmul.f32 v59, v41;
	v55 =	vadd.f32 $1.000000000e+00, v62  }
0x80: {  	v1 =	vadd.f32 v46, v1;
	v59 =	vadd.f32 v54, v52  }
0x81: {  	v47 =	vadd.f32 v50, v47;
	v60 =	vadd.f32 v63, v51;
	(erf) = vrcp.f32 v55  }
0x82: {  	v61 =	vld.idx.msk [tilespmem:v61+s4+$0x0], $0xffff  }
0x83: {  	v1 =	vadd.f32 v47, v1;
	v46 =	vadd.f32 v59, v60;
	_ =	sdelay $0x1  }
0x84: {  	v1 =	vadd.f32 v46, v1;
	_ =	sdelay $0x1  }
0x85: {  	v1 =	vadd.f32 v1, v61;
	_ =	sdelay $0x1  }
0x86: {  	v62 =	vperm.xlane v1, v25  }
0x87: {  	v46 =	vpop (erf)  }
0x88: {  	v47 =	vmul.f32 v46, v62;
	_ =	sdelay $0x1  }
0x89: {  	v1 =	vadd.f32 v47, v1;
	_ =	sdelay $0x1  }
0x8a: {  	v1 =	vmul.f32 $-2.000000000e+00, v1;
	_ =	sdelay $0x1  }
0x8b: {  	v1 =	vmul.f32 $1.442695020e+00, v1;
	_ =	sdelay $0x1  }
0x8c: {  	(erf) = vpow2.f32 v1;
	_ =	sdelay $0x6  }
0x8d: {  	s31 =	simm.s32 $0x10  }
0x8e: {  	v1 =	vor.u32 s31, v0  }
0x8f: {  	v47 =	vpop (erf)  }
0x90: {  	v63 =	vadd.f32 $1.000000000e+00, v47  }
0x91: {  	v48 =	vand.u32 $0x3, v48  }
0x92: {  	s18 =	simm.s32 $0x80;
	s19 =	simm.s32 $0x2;
	vm2 =	veq.s32 v49, v26;
	vm1 =	veq.s32 v48, v26;
	(erf) = vrcp.f32 v63  }
0x93: {  	s17 =	simm.s32 $0x0;
	s15 =	simm.s32 $0x40;
	s16 =	simm.s32 $0x3;
	vm1 =	vmor vm2, vm1;
	[tilespmem:v1+s11+$0x0] =	vst.idx.msk $0xffff, v45  }
.LBB2_4:
0x94: {  	p0 =	sne.s32 s18, $0x7FC0  }
0x95: {  	v1 =	vmov s19;
	s17 =	sadd.s32 $0x20, s17;
	s19 =	smov.u32 s18;
	s18 =	sadd.s32 $0x40, s18  }
0x96: {  	v1 =	vand.u32 $0xFFFFFFFE, v1  }
0x97: {  	v1 =	vbroadcast v1, $0x0;
	_ =	sdelay $0x2  }
0x98: {  	v47 =	vsub.f32 $1.000000000e+00, v47  }
0x99: {  	v48 =	vpop (erf)  }
0x9a: {  	v47 =	vmul.f32 v48, v47  }
0x9b: {  	v1 =	vld.idx.msk [tilespmem:v1+s10+$0x0], $0xffff  }
0x9c: {  	v46 =	vperm.xlane v46, v25;
	v45 =	vsub.f32 v45, v47;
	_ =	sdelay $0x1  }
0x9d: {  	v45 =	vmul.f32 v45, v46  }
0x9e: {  	s20 =	sadd.s32 $0x10, s15;
	v46 =	vor.u32 s17, v0  }
0x9f: {  	v48 =	vor.u32 s20, v0;
	v45 =	vadd.f32 v45, v47;
	v47 =	vsel vm2, v27, v16  }
0xa0: {  	v51 =	vor.u32 s15, v0;
	v49 =	vand.u32 $0x3, v1;
	v50 =	vshrl.u32 v1, $0x2  }
0xa1: {  	v1 =	vsel vm0, v1, v50;
	vm2 =	veq.s32 v50, v26;
	v45 =	vperm.xlane v45, v47  }
0xa2: {  	vm3 =	veq.s32 v49, v26;
	v1 =	vshll.u32 v1, $0x2  }
0xa3: {  	vm3 =	vmor vm2, vm3;
	v1 =	vor.u32 v16, v1;
	v44 =	vsel vm1, v45, v44  }
0xa4: {  	v45 =	vperm.xlane v44, v1;
	v1 =	vld.idx.msk [tilespmem:v48+s4+$0x0], $0xffff  }
0xa5: {  	v47 =	vld.idx.msk [tilespmem:v51+s4+$0x0], $0xffff  }
0xa6: {  	v48 =	vperm.xlane v45, v17;
	v49 =	vperm.xlane v45, v24;
	[tilespmem:v46+s11+$0x0] =	vst.idx.msk $0xffff, v45  }
0xa7: {  	v46 =	vperm.xlane v45, v19;
	v50 =	vperm.xlane v45, v21  }
0xa8: {  	v51 =	vmul.f32 v48, v28;
	v52 =	vmul.f32 v49, v43  }
0xa9: {  	v53 =	vperm.xlane v45, v23;
	v54 =	vmul.f32 v46, v30  }
0xaa: {  	v49 =	vmul.f32 v49, v35;
	v48 =	vmul.f32 v48, v36  }
0xab: {  	v55 =	vmul.f32 v50, v32;
	v56 =	vmul.f32 v53, v42  }
0xac: {  	v57 =	vperm.xlane v45, v18;
	v58 =	vperm.xlane v45, v22  }
0xad: {  	v59 =	vperm.xlane v45, v20;
	v53 =	vmul.f32 v53, v34;
	v52 =	vadd.f32 v52, v56  }
0xae: {  	v60 =	vmul.f32 v57, v37;
	v56 =	vmul.f32 v58, v33  }
0xaf: {  	v57 =	vmul.f32 v57, v29;
	v46 =	vmul.f32 v46, v38  }
0xb0: {  	v61 =	vmul.f32 v59, v31;
	v49 =	vadd.f32 v49, v53;
	v55 =	vadd.f32 v56, v55  }
0xb1: {  	v51 =	vadd.f32 v57, v51;
	v53 =	vmul.f32 v59, v39;
	v56 =	vmul.f32 v58, v41  }
0xb2: {  	v50 =	vmul.f32 v50, v40;
	v54 =	vadd.f32 v61, v54;
	v48 =	vadd.f32 v60, v48  }
0xb3: {  	v46 =	vadd.f32 v53, v46;
	v49 =	vadd.f32 v49, v55  }
0xb4: {  	v51 =	vadd.f32 v54, v51;
	v50 =	vadd.f32 v56, v50  }
0xb5: {  	v46 =	vadd.f32 v46, v48  }
0xb6: {  	v48 =	vadd.f32 v49, v51;
	v49 =	vadd.f32 v52, v50;
	_ =	sdelay $0x1  }
0xb7: {  	v47 =	vadd.f32 v48, v47;
	v46 =	vadd.f32 v49, v46;
	_ =	sdelay $0x1  }
0xb8: {  	v47 =	vsub.f32 $0.0e+00, v47;
	_ =	sdelay $0x1  }
0xb9: {  	v47 =	vmul.f32 $1.442695020e+00, v47;
	_ =	sdelay $0x1  }
0xba: {  	(erf) = vpow2.f32 v47;
	_ =	sdelay $0x8  }
0xbb: {  	v47 =	vpop (erf)  }
0xbc: {  	v47 =	vadd.f32 $1.000000000e+00, v47;
	_ =	sdelay $0x1  }
0xbd: {  	(erf) = vrcp.f32 v47;
	_ =	sdelay $0x5  }
0xbe: {  	v1 =	vadd.f32 v46, v1;
	_ =	sdelay $0x1  }
0xbf: {  	v46 =	vperm.xlane v1, v25  }
0xc0: {  	v47 =	vpop (erf)  }
0xc1: {  	v46 =	vmul.f32 v47, v46;
	_ =	sdelay $0x1  }
0xc2: {  	v1 =	vadd.f32 v46, v1;
	_ =	sdelay $0x1  }
0xc3: {  	v1 =	vmul.f32 $-2.000000000e+00, v1;
	_ =	sdelay $0x1  }
0xc4: {  	v1 =	vmul.f32 $1.442695020e+00, v1;
	_ =	sdelay $0x1  }
0xc5: {  	(erf) = vpow2.f32 v1;
	_ =	sdelay $0x8  }
0xc6: {  	v1 =	vpop (erf)  }
0xc7: {  	v46 =	vadd.f32 $1.000000000e+00, v1;
	_ =	sdelay $0x1  }
0xc8: {  	(erf) = vrcp.f32 v46;
	_ =	sdelay $0x5  }
0xc9: {  	v46 =	vmov s16;
	_ =	sdelay $0x1  }
0xca: {  	v1 =	vsub.f32 $1.000000000e+00, v1  }
0xcb: {  	v48 =	vpop (erf)  }
0xcc: {  	v1 =	vmul.f32 v48, v1  }
0xcd: {  	v46 =	vld.idx.msk [tilespmem:v46+s10+$0x0], $0xffff  }
0xce: {  	v47 =	vperm.xlane v47, v25;
	v45 =	vsub.f32 v45, v1;
	_ =	sdelay $0x1  }
0xcf: {  	v45 =	vmul.f32 v45, v47  }
0xd0: {  	s21 =	sadd.s32 $0x10, s17;
	s20 =	sadd.s32 $0x30, s15  }
0xd1: {  	s22 =	sadd.s32 $0x20, s15;
	s15 =	smov.u32 s19;
	v48 =	vor.u32 s21, v0;
	v47 =	vor.u32 s20, v0;
	v1 =	vadd.f32 v45, v1  }
0xd2: {  	v45 =	vsel vm2, v27, v16;
	v49 =	vand.u32 $0x3, v46;
	v50 =	vshrl.u32 v46, $0x2  }
0xd3: {  	v1 =	vperm.xlane v1, v45;
	v45 =	vsel vm0, v46, v50;
	v46 =	vor.u32 s22, v0  }
0xd4: {  	vm2 =	veq.s32 v50, v26;
	vm1 =	veq.s32 v49, v26;
	v45 =	vshll.u32 v45, $0x2  }
0xd5: {  	vm1 =	vmor vm2, vm1;
	v44 =	vsel vm3, v1, v44;
	v1 =	vor.u32 v16, v45  }
0xd6: {  	v45 =	vperm.xlane v44, v1;
	v1 =	vld.idx.msk [tilespmem:v47+s4+$0x0], $0xffff;
	_ =	sdelay $0x1  }
0xd7: {  	v46 =	vld.idx.msk [tilespmem:v46+s4+$0x0], $0xffff;
	v47 =	vperm.xlane v45, v17;
	v49 =	vperm.xlane v45, v18  }
0xd8: {  	v50 =	vperm.xlane v45, v19;
	v51 =	vperm.xlane v45, v20;
	[tilespmem:v48+s11+$0x0] =	vst.idx.msk $0xffff, v45  }
0xd9: {  	v48 =	vperm.xlane v45, v21;
	v52 =	vmul.f32 v49, v37  }
0xda: {  	v53 =	vperm.xlane v45, v23;
	v54 =	vmul.f32 v47, v36  }
0xdb: {  	v55 =	vmul.f32 v50, v30;
	v56 =	vmul.f32 v51, v31  }
0xdc: {  	v57 =	vperm.xlane v45, v24;
	v47 =	vmul.f32 v47, v28;
	v52 =	vadd.f32 v52, v54  }
0xdd: {  	v51 =	vmul.f32 v51, v39;
	v54 =	vmul.f32 v48, v40  }
0xde: {  	v58 =	vmul.f32 v57, v35;
	v59 =	vmul.f32 v53, v42  }
0xdf: {  	v50 =	vmul.f32 v50, v38;
	v57 =	vmul.f32 v57, v43  }
0xe0: {  	v60 =	vperm.xlane v45, v22;
	v49 =	vmul.f32 v49, v29  }
0xe1: {  	v53 =	vmul.f32 v53, v34;
	v48 =	vmul.f32 v48, v32;
	v57 =	vadd.f32 v57, v59  }
0xe2: {  	v59 =	vmul.f32 v60, v33;
	v47 =	vadd.f32 v49, v47;
	v49 =	vadd.f32 v56, v55  }
0xe3: {  	v53 =	vadd.f32 v58, v53;
	v55 =	vmul.f32 v60, v41;
	v50 =	vadd.f32 v51, v50  }
0xe4: {  	v47 =	vadd.f32 v49, v47;
	v48 =	vadd.f32 v59, v48  }
0xe5: {  	v49 =	vadd.f32 v55, v54  }
0xe6: {  	v48 =	vadd.f32 v53, v48  }
0xe7: {  	v50 =	vadd.f32 v50, v52;
	v49 =	vadd.f32 v57, v49  }
0xe8: {  	v47 =	vadd.f32 v48, v47  }
0xe9: {  	v48 =	vadd.f32 v49, v50  }
0xea: {  	v46 =	vadd.f32 v47, v46;
	_ =	sdelay $0x1  }
0xeb: {  	v46 =	vsub.f32 $0.0e+00, v46;
	_ =	sdelay $0x1  }
0xec: {  	v46 =	vmul.f32 $1.442695020e+00, v46;
	_ =	sdelay $0x1  }
0xed: {  	(erf) = vpow2.f32 v46;
	_ =	sdelay $0x8  }
0xee: {  	v46 =	vpop (erf)  }
0xef: {  	v46 =	vadd.f32 $1.000000000e+00, v46;
	_ =	sdelay $0x1  }
0xf0: {  	(erf) = vrcp.f32 v46;
	_ =	sdelay $0x4  }
0xf1: {  	v1 =	vadd.f32 v48, v1;
	_ =	sdelay $0x1  }
0xf2: {  	v47 =	vperm.xlane v1, v25;
	_ =	sdelay $0x1  }
0xf3: {  	v46 =	vpop (erf)  }
0xf4: {  	v47 =	vmul.f32 v46, v47;
	_ =	sdelay $0x1  }
0xf5: {  	v1 =	vadd.f32 v47, v1;
	_ =	sdelay $0x1  }
0xf6: {  	v1 =	vmul.f32 $-2.000000000e+00, v1;
	_ =	sdelay $0x1  }
0xf7: {  	v1 =	vmul.f32 $1.442695020e+00, v1;
	_ =	sdelay $0x1  }
0xf8: {  	(erf) = vpow2.f32 v1;
	_ =	sdelay $0x8  }
0xf9: {  	v47 =	vpop (erf)  }
.Ltmp1:
0xfa: {  	v1 =	vadd.f32 $1.000000000e+00, v47;
	(pc) =	sbr.rel @p0 .LBB2_4-.Ltmp1, $4  }
0xfb: {  	_ = 	snop  }
0xfc: {  	(erf) = vrcp.f32 v1  }
0xfd: {  	s16 =	sadd.s32 $0x2, s16  }
0xfe: {  	s19 =	sadd.s32 $0xFFFFFFFF, s16  }
0xff: {  	_ = 	snop  }
0x100: {  	v1 =	vmov s19  }
0x101: {  	v1 =	vand.u32 $0xFFFFFFFE, v1  }
0x102: {  	v1 =	vbroadcast v1, $0x0;
	_ =	sdelay $0x1  }
0x103: {  	v47 =	vsub.f32 $1.000000000e+00, v47  }
0x104: {  	v48 =	vpop (erf)  }
0x105: {  	v47 =	vmul.f32 v48, v47;
	_ =	sdelay $0x1  }
0x106: {  	v46 =	vperm.xlane v46, v25;
	v1 =	vld.idx.msk [tilespmem:v1+s10+$0x0], $0xffff;
	v45 =	vsub.f32 v45, v47;
	_ =	sdelay $0x1  }
0x107: {  	v45 =	vmul.f32 v45, v46;
	_ =	sdelay $0x1  }
0x108: {  	v45 =	vadd.f32 v45, v47  }
0x109: {  	v57 =	vsel vm2, v27, v16;
	v47 =	vshrl.u32 v1, $0x2  }
0x10a: {  	v58 =	vsel vm0, v1, v47;
	v45 =	vperm.xlane v45, v57  }
0x10b: {  	v59 =	vshll.u32 v58, $0x2  }
0x10c: {  	v46 =	vor.u32 v16, v59;
	v44 =	vsel vm1, v45, v44  }
0x10d: {  	v45 =	vperm.xlane v44, v46;
	_ =	sdelay $0x1  }
0x10e: {  	v46 =	vperm.xlane v45, v17;
	v48 =	vperm.xlane v45, v24  }
0x10f: {  	v49 =	vperm.xlane v45, v19;
	v50 =	vperm.xlane v45, v21  }
0x110: {  	v52 =	vperm.xlane v45, v23;
	v56 =	vperm.xlane v45, v22  }
0x111: {  	v58 =	vperm.xlane v45, v18;
	v59 =	vperm.xlane v45, v20  }
0x112: {  	v51 =	vmul.f32 v46, v28;
	v53 =	vmul.f32 v49, v30  }
0x113: {  	v57 =	vor.u32 s15, v0;
	v54 =	vmul.f32 v48, v35;
	v55 =	vmul.f32 v50, v32  }
0x114: {  	v60 =	vmul.f32 v52, v34;
	v61 =	vmul.f32 v56, v33  }
0x115: {  	v62 =	vmul.f32 v58, v29;
	v63 =	vmul.f32 v59, v31  }
0x116: {  	v55 =	vadd.f32 v61, v55;
	v54 =	vadd.f32 v54, v60  }
0x117: {  	v51 =	vadd.f32 v62, v51;
	v53 =	vadd.f32 v63, v53  }
0x118: {  	v57 =	vld.idx.msk [tilespmem:v57+s4+$0x0], $0xffff  }
0x119: {  	v54 =	vadd.f32 v54, v55;
	v51 =	vadd.f32 v53, v51;
	_ =	sdelay $0x1  }
0x11a: {  	v51 =	vadd.f32 v54, v51;
	_ =	sdelay $0x1  }
0x11b: {  	v51 =	vadd.f32 v51, v57;
	_ =	sdelay $0x1  }
0x11c: {  	v51 =	vsub.f32 $0.0e+00, v51;
	_ =	sdelay $0x1  }
0x11d: {  	v51 =	vmul.f32 $1.442695020e+00, v51;
	_ =	sdelay $0x1  }
0x11e: {  	(erf) = vpow2.f32 v51;
	_ =	sdelay $0x6  }
0x11f: {  	s18 =	sadd.s32 $0x10, s15;
	v48 =	vmul.f32 v48, v43;
	v46 =	vmul.f32 v46, v36  }
0x120: {  	v52 =	vmul.f32 v52, v42;
	v49 =	vmul.f32 v49, v38;
	v60 =	vor.u32 s18, v0  }
0x121: {  	v56 =	vmul.f32 v56, v41;
	v50 =	vmul.f32 v50, v40;
	v63 =	vpop (erf)  }
0x122: {  	v61 =	vmul.f32 v58, v37;
	v62 =	vmul.f32 v59, v39;
	v55 =	vadd.f32 $1.000000000e+00, v63  }
0x123: {  	v48 =	vadd.f32 v48, v52;
	v50 =	vadd.f32 v56, v50  }
0x124: {  	v46 =	vadd.f32 v61, v46;
	v49 =	vadd.f32 v62, v49;
	(erf) = vrcp.f32 v55  }
0x125: {  	v51 =	vld.idx.msk [tilespmem:v60+s4+$0x0], $0xffff  }
0x126: {  	v48 =	vadd.f32 v48, v50;
	v46 =	vadd.f32 v49, v46;
	_ =	sdelay $0x1  }
0x127: {  	v46 =	vadd.f32 v48, v46;
	_ =	sdelay $0x1  }
0x128: {  	v46 =	vadd.f32 v46, v51;
	_ =	sdelay $0x1  }
0x129: {  	v53 =	vperm.xlane v46, v25  }
0x12a: {  	v54 =	vpop (erf)  }
0x12b: {  	v48 =	vmul.f32 v54, v53;
	_ =	sdelay $0x1  }
0x12c: {  	v46 =	vadd.f32 v48, v46;
	_ =	sdelay $0x1  }
0x12d: {  	v46 =	vmul.f32 $-2.000000000e+00, v46;
	_ =	sdelay $0x1  }
0x12e: {  	v46 =	vmul.f32 $1.442695020e+00, v46;
	_ =	sdelay $0x1  }
0x12f: {  	(erf) = vpow2.f32 v46;
	_ =	sdelay $0x8  }
0x130: {  	v46 =	vpop (erf)  }
0x131: {  	v55 =	vadd.f32 $1.000000000e+00, v46;
	_ =	sdelay $0x1  }
0x132: {  	(erf) = vrcp.f32 v55;
	_ =	sdelay $0x4  }
0x133: {  	s17 =	sadd.s32 $0x20, s17  }
0x134: {  	v56 =	vor.u32 s17, v0  }
0x135: {  	v57 =	vmov s16  }
0x136: {  	v46 =	vsub.f32 $1.000000000e+00, v46  }
0x137: {  	v58 =	vpop (erf)  }
0x138: {  	v46 =	vmul.f32 v58, v46  }
0x139: {  	[tilespmem:v56+s11+$0x0] =	vst.idx.msk $0xffff, v45  }
0x13a: {  	v49 =	vperm.xlane v54, v25;
	v48 =	vld.idx.msk [tilespmem:v57+s10+$0x0], $0xffff;
	v45 =	vsub.f32 v45, v46;
	_ =	sdelay $0x1  }
0x13b: {  	v45 =	vmul.f32 v45, v49;
	_ =	sdelay $0x1  }
0x13c: {  	vm1 =	veq.s32 v47, v26;
	v45 =	vadd.f32 v45, v46  }
0x13d: {  	v1 =	vand.u32 $0x3, v1;
	v59 =	vsel vm1, v27, v16;
	v47 =	vshrl.u32 v48, $0x2  }
0x13e: {  	vm2 =	veq.s32 v1, v26;
	v60 =	vsel vm0, v48, v47;
	v1 =	vperm.xlane v45, v59  }
0x13f: {  	vm1 =	vmor vm1, vm2;
	v45 =	vshll.u32 v60, $0x2  }
0x140: {  	v61 =	vor.u32 v16, v45;
	v1 =	vsel vm1, v1, v44  }
0x141: {  	v44 =	vperm.xlane v1, v61;
	_ =	sdelay $0x1  }
0x142: {  	v45 =	vperm.xlane v44, v17;
	v46 =	vperm.xlane v44, v18  }
0x143: {  	v49 =	vperm.xlane v44, v19;
	v50 =	vperm.xlane v44, v20  }
0x144: {  	v51 =	vperm.xlane v44, v21;
	v52 =	vperm.xlane v44, v23  }
0x145: {  	v54 =	vperm.xlane v44, v24;
	v59 =	vperm.xlane v44, v22  }
0x146: {  	s28 =	sadd.s32 $0x20, s15;
	v53 =	vmul.f32 v49, v30;
	v55 =	vmul.f32 v50, v31  }
0x147: {  	v57 =	vor.u32 s28, v0;
	v56 =	vmul.f32 v45, v28;
	v58 =	vmul.f32 v54, v35  }
0x148: {  	v60 =	vmul.f32 v46, v29;
	v61 =	vmul.f32 v51, v32  }
0x149: {  	v62 =	vmul.f32 v52, v34;
	v63 =	vmul.f32 v59, v33  }
0x14a: {  	v56 =	vadd.f32 v60, v56;
	v53 =	vadd.f32 v55, v53  }
0x14b: {  	v62 =	vadd.f32 v58, v62;
	v63 =	vadd.f32 v63, v61  }
0x14c: {  	v57 =	vld.idx.msk [tilespmem:v57+s4+$0x0], $0xffff  }
0x14d: {  	v53 =	vadd.f32 v53, v56;
	v55 =	vadd.f32 v62, v63;
	_ =	sdelay $0x1  }
0x14e: {  	v53 =	vadd.f32 v55, v53;
	_ =	sdelay $0x1  }
0x14f: {  	v53 =	vadd.f32 v53, v57;
	_ =	sdelay $0x1  }
0x150: {  	v53 =	vsub.f32 $0.0e+00, v53;
	_ =	sdelay $0x1  }
0x151: {  	v53 =	vmul.f32 $1.442695020e+00, v53;
	_ =	sdelay $0x1  }
0x152: {  	(erf) = vpow2.f32 v53;
	_ =	sdelay $0x6  }
0x153: {  	s29 =	sadd.s32 $0x30, s15;
	v46 =	vmul.f32 v46, v37;
	v45 =	vmul.f32 v45, v36  }
0x154: {  	v50 =	vmul.f32 v50, v39;
	v51 =	vmul.f32 v51, v40;
	v60 =	vor.u32 s29, v0  }
0x155: {  	v52 =	vmul.f32 v52, v42;
	v49 =	vmul.f32 v49, v38;
	v61 =	vpop (erf)  }
0x156: {  	v54 =	vmul.f32 v54, v43;
	v62 =	vmul.f32 v59, v41;
	v55 =	vadd.f32 $1.000000000e+00, v61  }
0x157: {  	v45 =	vadd.f32 v46, v45;
	v49 =	vadd.f32 v50, v49  }
0x158: {  	v63 =	vadd.f32 v54, v52;
	v54 =	vadd.f32 v62, v51;
	(erf) = vrcp.f32 v55  }
0x159: {  	v55 =	vld.idx.msk [tilespmem:v60+s4+$0x0], $0xffff  }
0x15a: {  	v45 =	vadd.f32 v49, v45;
	v46 =	vadd.f32 v63, v54;
	_ =	sdelay $0x1  }
0x15b: {  	v45 =	vadd.f32 v46, v45;
	_ =	sdelay $0x1  }
0x15c: {  	v45 =	vadd.f32 v45, v55;
	_ =	sdelay $0x1  }
0x15d: {  	v56 =	vperm.xlane v45, v25  }
0x15e: {  	v57 =	vpop (erf)  }
0x15f: {  	v46 =	vmul.f32 v57, v56;
	_ =	sdelay $0x1  }
0x160: {  	v45 =	vadd.f32 v46, v45;
	_ =	sdelay $0x1  }
0x161: {  	v45 =	vmul.f32 $-2.000000000e+00, v45;
	_ =	sdelay $0x1  }
0x162: {  	v45 =	vmul.f32 $1.442695020e+00, v45;
	_ =	sdelay $0x1  }
0x163: {  	(erf) = vpow2.f32 v45;
	_ =	sdelay $0x8  }
0x164: {  	v45 =	vpop (erf)  }
0x165: {  	v58 =	vadd.f32 $1.000000000e+00, v45;
	_ =	sdelay $0x1  }
0x166: {  	(erf) = vrcp.f32 v58;
	_ =	sdelay $0x7  }
0x167: {  	v45 =	vsub.f32 $1.000000000e+00, v45  }
0x168: {  	v46 =	vpop (erf)  }
0x169: {  	s30 =	sadd.s32 $0x10, s17;
	v45 =	vmul.f32 v46, v45  }
0x16a: {  	v59 =	vor.u32 s30, v0  }
0x16b: {  	v49 =	vperm.xlane v57, v25;
	v60 =	vsub.f32 v44, v45;
	_ =	sdelay $0x1  }
0x16c: {  	s31 =	sshll.u32 s14, $0xB;
	s14 =	sadd.s32 $0x1, s14;
	v49 =	vmul.f32 v60, v49  }
0x16d: {  	p0 =	sne.s32 s14, $0x4  }
.Ltmp2:
0x16e: {  	s15 =	sadd.s32 s6, s31;
	vm1 =	veq.s32 v47, v26;
	[tilespmem:v59+s11+$0x0] =	vst.idx.msk $0xffff, v44;
	v61 =	vadd.f32 v49, v45;
	(pc) =	sbr.rel @p0 .LBB2_3-.Ltmp2, $4  }
0x16f: {  	v62 =	vand.u32 $0x3, v48;
	v63 =	vsel vm1, v27, v16;
	[hbm4b:s15+s4] =	stream.linear.scatter [tilespmem:s11], [sflag:$0x1], $0x4000, $0x38;
	[tilespmem:$0xC500] =	vst v63  }
0x170: {  	vm2 =	veq.s32 v62, v26;
	_ =	swait.ge [sflag:s9], $0x4000;
	v44 =	vperm.xlane v61, v63  }
0x171: {  	vm1 =	vmor vm1, vm2;
	[sflag:s9] =	ssyncset.done $0x0  }
0x172: {  	[sflag:s9] =	ssyncadd.s32 $0xFFFFC000;
	v44 =	vsel vm1, v44, v1  }
0x173: {  	s12 =	sadd.s32 $0x1, s12  }
0x174: {  	p0 =	sne.s32 s12, s7  }
.Ltmp3:
0x175: {  	_ = 	snop;
	(pc) =	sbr.rel @p0 .LBB2_2-.Ltmp3, $1  }
0x176: {  	_ =	sdelay $0x3  }
.LBB2_7:
0x177: {  	_ =	sfence.sel $0x180000  }
0x178: {  	[bflag:$0x0] =	sbarrier.arrive $0xFFFF  }
0x179: {  	p0 =	sne.s32 s1, $0x0;
	_ =	strace $0x9000004A  }
0x17a: {  	s0 =	sadd.s32 @!p0 $0x100000, s0;
	[bflag:$0x2] =	sbarrier.arrive $0xFFFF  }
0x17b: {  	[sflag:s0] =	ssyncadd.tile.s32 @!p0 $0x1;
	_ =	shalt  }
.Lfunc_end2:
_tile_overlayer_lowered:
.L_overlay_start_2:
0x17c: {  	(tag) =	ssettag $0x2  }
0x17d: {  	s0 =	rddreg [dreg:$0x0];
	s2 =	stileid.u32  }
0x17e: {  	s1 =	rddreg [dreg:$0x1];
	p0 =	sne.s32 s2, $0x0  }
0x17f: {  	s3 =	rddreg [dreg:$0x2];
	[bflag:$0x3] =	sbarrier.arrive $0xFFFF;
	s2 =	simm.s32 @!p0 $0x1C01  }
0x180: {  	[timem:s3], [sflag:s2] =	dma.local @!p0 [hbm:s0], s1  }
0x181: {  	s0 =	simm.s32 @!p0 $0x1  }
0x182: {  	_ =	swait.ge @!p0 [sflag:s0], s1  }
0x183: {  	s1 =	ssub.s32 @!p0 $0x0, s1;
	[sflag:s0] =	ssyncset.done @!p0 $0x0  }
0x184: {  	[sflag:s0] =	ssyncadd.s32 @!p0 s1  }
0x185: {  	[bflag:$0x3] =	sbarrier.arrive $0xFFFF  }
0x186: {  	_ =	shalt  }

</sc_bundles>
